<compile_context>
chip_gen: v7x
topology: tpu7x:2x2x1
jax: 0.10.2.dev20260603
libtpu: 0.0.44.dev20260713+nightly
codegen_flags: <defaults>
</compile_context>

<pallas_src>
import functools

import jax
import jax.numpy as jnp
from jax import lax
from jax.experimental import pallas as pl
from jax.experimental.pallas import tpu as pltpu
from jax.experimental.pallas import tpu_sc as plsc

_B, _S, _D = 4, 8192, 1024
_NC, _NS = 2, 16
_NW = _NC * _NS
_RPW = _S // _NW
_CR = 8
_NCHUNK = _RPW // _CR
_RING = 3


def _sc_add_body(in_hbm, pos_hbm, out_hbm, in_v, pos_v, sem_in, sem_pos,
                 sem_out):
    wid = lax.axis_index("s") * _NC + lax.axis_index("c")
    pos_base = wid * _RPW

    def start_load(g, sl):
        r0 = pos_base + g * _CR
        pltpu.async_copy(pos_hbm.at[pl.ds(r0, _CR), :], pos_v[sl],
                         sem_pos[sl])
        for b in range(_B):
            pltpu.async_copy(in_hbm.at[pl.ds(b * _S + r0, _CR), :],
                             in_v[b][sl], sem_in[sl])

    def wait_load(g, sl):
        r0 = pos_base + g * _CR
        pltpu.make_async_copy(pos_hbm.at[pl.ds(r0, _CR), :], pos_v[sl],
                              sem_pos[sl]).wait()
        for b in range(_B):
            pltpu.make_async_copy(in_hbm.at[pl.ds(b * _S + r0, _CR), :],
                                  in_v[b][sl], sem_in[sl]).wait()

    def start_store(g, sl):
        r0 = pos_base + g * _CR
        for b in range(_B):
            pltpu.async_copy(in_v[b][sl],
                             out_hbm.at[pl.ds(b * _S + r0, _CR), :],
                             sem_out[sl])

    def wait_store(g, sl):
        r0 = pos_base + g * _CR
        for b in range(_B):
            pltpu.make_async_copy(in_v[b][sl],
                                  out_hbm.at[pl.ds(b * _S + r0, _CR), :],
                                  sem_out[sl]).wait()

    def compute(sl):
        @plsc.parallel_loop(0, _CR * _D // 16, step=1, unroll=8)
        def _add(k):
            r = k >> 6
            cs = pl.ds((k & 63) * 16, 16)
            pv = pos_v[sl][r, cs]
            for b in range(_B):
                in_v[b][sl][r, cs] = in_v[b][sl][r, cs] + pv

    def step(g, sl, tail=False):
        wait_load(g, sl)
        compute(sl)
        start_store(g, sl)
        if tail:
            wait_store(g - 1, (sl - 1) % _RING)
        else:
            @pl.when(g >= 1)
            def _():
                wait_store(g - 1, (sl - 1) % _RING)

            @pl.when(g + 2 < _NCHUNK)
            def _():
                start_load(g + 2, (sl + 2) % _RING)

    start_load(0, 0)
    start_load(1, 1)
    n_main = (_NCHUNK // _RING) * _RING

    def triple(t, _):
        for p in range(_RING):
            step(t * _RING + p, p)
        return 0

    lax.fori_loop(0, n_main // _RING, triple, 0)
    for g in range(n_main, _NCHUNK):
        step(g, g % _RING, tail=True)
    wait_store(_NCHUNK - 1, (_NCHUNK - 1) % _RING)


@functools.partial(
    pl.kernel,
    mesh=plsc.VectorSubcoreMesh(core_axis_name="c", subcore_axis_name="s"),
    out_type=jax.ShapeDtypeStruct((_B * _S, _D), jnp.float32),
    scratch_types=(
        [pltpu.VMEM((_CR, _D), jnp.float32)] * (_RING * (_B + 1))
        + [pltpu.SemaphoreType.DMA] * (3 * _RING)
    ),
)
def _sc_add(in_hbm, pos_hbm, out_hbm,
            i00, i01, i02, i10, i11, i12, i20, i21, i22, i30, i31, i32,
            p0, p1, p2,
            si0, si1, si2, sp0, sp1, sp2, so0, so1, so2):
    _sc_add_body(
        in_hbm, pos_hbm, out_hbm,
        [[i00, i01, i02], [i10, i11, i12], [i20, i21, i22], [i30, i31, i32]],
        [p0, p1, p2],
        [si0, si1, si2], [sp0, sp1, sp2], [so0, so1, so2])


def kernel(inputs, pos_table):
    B, S, D = inputs.shape
    out = _sc_add(inputs.reshape(B * S, D), pos_table[:S])
    return out.reshape(B, S, D)

# --- scband reference (transcript-rebuilt; emitter-appended) ---
"""Pipeline reference for scband-positional-encoding-65292092834050 (READ-ONLY COPY).

The authoritative reference and input builder live on the scoring server;
editing this copy changes nothing except your own understanding.
"""

import jax, jax.numpy as jnp
import numpy as np

MAX_POSITION = 8192
D_MODEL = 1024

def setup_inputs(seed: int = 0) -> dict:
    key = jax.random.key(seed)
    k1, k2 = jax.random.split(key)
    inputs = jax.random.normal(k1, (4, 8192, D_MODEL), dtype=jnp.float32)
    # Learned positional embedding table (keras Embedding default: uniform(-0.05, 0.05))
    pos_table = jax.random.uniform(k2, (MAX_POSITION, D_MODEL), dtype=jnp.float32, minval=-0.05, maxval=0.05)
    return {"inputs": inputs, "pos_table": pos_table}

def reference(inputs, pos_table):
    seq_len = inputs.shape[1]
    positions = jnp.arange(seq_len)
    pos_enc = jnp.take(pos_table, positions, axis=0)  # [S, d_model] gather
    return inputs + pos_enc[None, :, :]

if __name__ == "__main__":
    import jax
    _d = setup_inputs()
    print(jax.jit(kernel)(*tuple(_d.values())))

</pallas_src>

<mosaic_0001>
#map = affine_map<(d0, d1) -> (0, 0)>
module attributes {stable_mosaic.version = 14 : i64} {
  func.func @_sc_add(%arg0: i32, %arg1: i32, %arg2: memref<32768x1024xf32, #tpu.memory_space<hbm>>, %arg3: memref<8192x1024xf32, #tpu.memory_space<hbm>>, %arg4: memref<32768x1024xf32, #tpu.memory_space<hbm>>, %arg5: memref<8x1024xf32, #tpu.memory_space<vmem>>, %arg6: memref<8x1024xf32, #tpu.memory_space<vmem>>, %arg7: memref<8x1024xf32, #tpu.memory_space<vmem>>, %arg8: memref<8x1024xf32, #tpu.memory_space<vmem>>, %arg9: memref<8x1024xf32, #tpu.memory_space<vmem>>, %arg10: memref<8x1024xf32, #tpu.memory_space<vmem>>, %arg11: memref<8x1024xf32, #tpu.memory_space<vmem>>, %arg12: memref<8x1024xf32, #tpu.memory_space<vmem>>, %arg13: memref<8x1024xf32, #tpu.memory_space<vmem>>, %arg14: memref<8x1024xf32, #tpu.memory_space<vmem>>, %arg15: memref<8x1024xf32, #tpu.memory_space<vmem>>, %arg16: memref<8x1024xf32, #tpu.memory_space<vmem>>, %arg17: memref<8x1024xf32, #tpu.memory_space<vmem>>, %arg18: memref<8x1024xf32, #tpu.memory_space<vmem>>, %arg19: memref<8x1024xf32, #tpu.memory_space<vmem>>, %arg20: memref<!tpu.dma_semaphore, #tpu.memory_space<semaphore_mem>>, %arg21: memref<!tpu.dma_semaphore, #tpu.memory_space<semaphore_mem>>, %arg22: memref<!tpu.dma_semaphore, #tpu.memory_space<semaphore_mem>>, %arg23: memref<!tpu.dma_semaphore, #tpu.memory_space<semaphore_mem>>, %arg24: memref<!tpu.dma_semaphore, #tpu.memory_space<semaphore_mem>>, %arg25: memref<!tpu.dma_semaphore, #tpu.memory_space<semaphore_mem>>, %arg26: memref<!tpu.dma_semaphore, #tpu.memory_space<semaphore_mem>>, %arg27: memref<!tpu.dma_semaphore, #tpu.memory_space<semaphore_mem>>, %arg28: memref<!tpu.dma_semaphore, #tpu.memory_space<semaphore_mem>>) attributes {dimension_semantics = [#tpu.dimension_semantics<core_parallel>, #tpu.dimension_semantics<subcore_parallel>], iteration_bounds = array<i64: 2, 16>, scalar_prefetch = 0 : i64, scratch_operands = 24 : i64, tpu.core_type = #tpu.core_type<sc_vector_subcore>, window_params = [{transform_indices = #map}, {transform_indices = #map}, {transform_indices = #map}]} {
    %mul3A = arith.constant 2 : i32
    %mul3A_0 = arith.muli %arg1, %mul3A : i32
    %add3A = arith.addi %mul3A_0, %arg0 : i32
    %mul3A_1 = arith.constant 256 : i32
    %mul3A_2 = arith.muli %add3A, %mul3A_1 : i32
    %add3A_3 = arith.constant 0 : i32
    %add3A_4 = arith.addi %mul3A_2, %add3A_3 : i32
    %dma_start3A = arith.constant 0 : i32
    %dma_start3A_5 = tpu.memref_slice %arg3[%add3A_4, %dma_start3A] : memref<8192x1024xf32, #tpu.memory_space<hbm>> -> memref<8x1024xf32, #tpu.memory_space<hbm>>
    %dma_start3A_6 = arith.constant 0 : i32
    %dma_start3A_7 = tpu.memref_slice %arg3[%add3A_4, %dma_start3A_6] : memref<8192x1024xf32, #tpu.memory_space<hbm>> -> memref<8x1024xf32, #tpu.memory_space<hbm>>
    tpu.enqueue_dma source(%dma_start3A_7 : memref<8x1024xf32, #tpu.memory_space<hbm>>) target(%arg17 : memref<8x1024xf32, #tpu.memory_space<vmem>>) target_semaphore(%arg23 : memref<!tpu.dma_semaphore, #tpu.memory_space<semaphore_mem>>)
    %add3A_8 = arith.constant 0 : i32
    %add3A_9 = arith.addi %add3A_8, %add3A_4 : i32
    %dma_start3A_10 = arith.constant 0 : i32
    %dma_start3A_11 = tpu.memref_slice %arg2[%add3A_9, %dma_start3A_10] : memref<32768x1024xf32, #tpu.memory_space<hbm>> -> memref<8x1024xf32, #tpu.memory_space<hbm>>
    %dma_start3A_12 = arith.constant 0 : i32
    %dma_start3A_13 = tpu.memref_slice %arg2[%add3A_9, %dma_start3A_12] : memref<32768x1024xf32, #tpu.memory_space<hbm>> -> memref<8x1024xf32, #tpu.memory_space<hbm>>
    tpu.enqueue_dma source(%dma_start3A_13 : memref<8x1024xf32, #tpu.memory_space<hbm>>) target(%arg5 : memref<8x1024xf32, #tpu.memory_space<vmem>>) target_semaphore(%arg20 : memref<!tpu.dma_semaphore, #tpu.memory_space<semaphore_mem>>)
    %add3A_14 = arith.constant 8192 : i32
    %add3A_15 = arith.addi %add3A_14, %add3A_4 : i32
    %dma_start3A_16 = arith.constant 0 : i32
    %dma_start3A_17 = tpu.memref_slice %arg2[%add3A_15, %dma_start3A_16] : memref<32768x1024xf32, #tpu.memory_space<hbm>> -> memref<8x1024xf32, #tpu.memory_space<hbm>>
    %dma_start3A_18 = arith.constant 0 : i32
    %dma_start3A_19 = tpu.memref_slice %arg2[%add3A_15, %dma_start3A_18] : memref<32768x1024xf32, #tpu.memory_space<hbm>> -> memref<8x1024xf32, #tpu.memory_space<hbm>>
    tpu.enqueue_dma source(%dma_start3A_19 : memref<8x1024xf32, #tpu.memory_space<hbm>>) target(%arg8 : memref<8x1024xf32, #tpu.memory_space<vmem>>) target_semaphore(%arg20 : memref<!tpu.dma_semaphore, #tpu.memory_space<semaphore_mem>>)
    %add3A_20 = arith.constant 16384 : i32
    %add3A_21 = arith.addi %add3A_20, %add3A_4 : i32
    %dma_start3A_22 = arith.constant 0 : i32
    %dma_start3A_23 = tpu.memref_slice %arg2[%add3A_21, %dma_start3A_22] : memref<32768x1024xf32, #tpu.memory_space<hbm>> -> memref<8x1024xf32, #tpu.memory_space<hbm>>
    %dma_start3A_24 = arith.constant 0 : i32
    %dma_start3A_25 = tpu.memref_slice %arg2[%add3A_21, %dma_start3A_24] : memref<32768x1024xf32, #tpu.memory_space<hbm>> -> memref<8x1024xf32, #tpu.memory_space<hbm>>
    tpu.enqueue_dma source(%dma_start3A_25 : memref<8x1024xf32, #tpu.memory_space<hbm>>) target(%arg11 : memref<8x1024xf32, #tpu.memory_space<vmem>>) target_semaphore(%arg20 : memref<!tpu.dma_semaphore, #tpu.memory_space<semaphore_mem>>)
    %add3A_26 = arith.constant 24576 : i32
    %add3A_27 = arith.addi %add3A_26, %add3A_4 : i32
    %dma_start3A_28 = arith.constant 0 : i32
    %dma_start3A_29 = tpu.memref_slice %arg2[%add3A_27, %dma_start3A_28] : memref<32768x1024xf32, #tpu.memory_space<hbm>> -> memref<8x1024xf32, #tpu.memory_space<hbm>>
    %dma_start3A_30 = arith.constant 0 : i32
    %dma_start3A_31 = tpu.memref_slice %arg2[%add3A_27, %dma_start3A_30] : memref<32768x1024xf32, #tpu.memory_space<hbm>> -> memref<8x1024xf32, #tpu.memory_space<hbm>>
    tpu.enqueue_dma source(%dma_start3A_31 : memref<8x1024xf32, #tpu.memory_space<hbm>>) target(%arg14 : memref<8x1024xf32, #tpu.memory_space<vmem>>) target_semaphore(%arg20 : memref<!tpu.dma_semaphore, #tpu.memory_space<semaphore_mem>>)
    %add3A_32 = arith.constant 8 : i32
    %add3A_33 = arith.addi %mul3A_2, %add3A_32 : i32
    %dma_start3A_34 = arith.constant 0 : i32
    %dma_start3A_35 = tpu.memref_slice %arg3[%add3A_33, %dma_start3A_34] : memref<8192x1024xf32, #tpu.memory_space<hbm>> -> memref<8x1024xf32, #tpu.memory_space<hbm>>
    %dma_start3A_36 = arith.constant 0 : i32
    %dma_start3A_37 = tpu.memref_slice %arg3[%add3A_33, %dma_start3A_36] : memref<8192x1024xf32, #tpu.memory_space<hbm>> -> memref<8x1024xf32, #tpu.memory_space<hbm>>
    tpu.enqueue_dma source(%dma_start3A_37 : memref<8x1024xf32, #tpu.memory_space<hbm>>) target(%arg18 : memref<8x1024xf32, #tpu.memory_space<vmem>>) target_semaphore(%arg24 : memref<!tpu.dma_semaphore, #tpu.memory_space<semaphore_mem>>)
    %add3A_38 = arith.constant 0 : i32
    %add3A_39 = arith.addi %add3A_38, %add3A_33 : i32
    %dma_start3A_40 = arith.constant 0 : i32
    %dma_start3A_41 = tpu.memref_slice %arg2[%add3A_39, %dma_start3A_40] : memref<32768x1024xf32, #tpu.memory_space<hbm>> -> memref<8x1024xf32, #tpu.memory_space<hbm>>
    %dma_start3A_42 = arith.constant 0 : i32
    %dma_start3A_43 = tpu.memref_slice %arg2[%add3A_39, %dma_start3A_42] : memref<32768x1024xf32, #tpu.memory_space<hbm>> -> memref<8x1024xf32, #tpu.memory_space<hbm>>
    tpu.enqueue_dma source(%dma_start3A_43 : memref<8x1024xf32, #tpu.memory_space<hbm>>) target(%arg6 : memref<8x1024xf32, #tpu.memory_space<vmem>>) target_semaphore(%arg21 : memref<!tpu.dma_semaphore, #tpu.memory_space<semaphore_mem>>)
    %add3A_44 = arith.constant 8192 : i32
    %add3A_45 = arith.addi %add3A_44, %add3A_33 : i32
    %dma_start3A_46 = arith.constant 0 : i32
    %dma_start3A_47 = tpu.memref_slice %arg2[%add3A_45, %dma_start3A_46] : memref<32768x1024xf32, #tpu.memory_space<hbm>> -> memref<8x1024xf32, #tpu.memory_space<hbm>>
    %dma_start3A_48 = arith.constant 0 : i32
    %dma_start3A_49 = tpu.memref_slice %arg2[%add3A_45, %dma_start3A_48] : memref<32768x1024xf32, #tpu.memory_space<hbm>> -> memref<8x1024xf32, #tpu.memory_space<hbm>>
    tpu.enqueue_dma source(%dma_start3A_49 : memref<8x1024xf32, #tpu.memory_space<hbm>>) target(%arg9 : memref<8x1024xf32, #tpu.memory_space<vmem>>) target_semaphore(%arg21 : memref<!tpu.dma_semaphore, #tpu.memory_space<semaphore_mem>>)
    %add3A_50 = arith.constant 16384 : i32
    %add3A_51 = arith.addi %add3A_50, %add3A_33 : i32
    %dma_start3A_52 = arith.constant 0 : i32
    %dma_start3A_53 = tpu.memref_slice %arg2[%add3A_51, %dma_start3A_52] : memref<32768x1024xf32, #tpu.memory_space<hbm>> -> memref<8x1024xf32, #tpu.memory_space<hbm>>
    %dma_start3A_54 = arith.constant 0 : i32
    %dma_start3A_55 = tpu.memref_slice %arg2[%add3A_51, %dma_start3A_54] : memref<32768x1024xf32, #tpu.memory_space<hbm>> -> memref<8x1024xf32, #tpu.memory_space<hbm>>
    tpu.enqueue_dma source(%dma_start3A_55 : memref<8x1024xf32, #tpu.memory_space<hbm>>) target(%arg12 : memref<8x1024xf32, #tpu.memory_space<vmem>>) target_semaphore(%arg21 : memref<!tpu.dma_semaphore, #tpu.memory_space<semaphore_mem>>)
    %add3A_56 = arith.constant 24576 : i32
    %add3A_57 = arith.addi %add3A_56, %add3A_33 : i32
    %dma_start3A_58 = arith.constant 0 : i32
    %dma_start3A_59 = tpu.memref_slice %arg2[%add3A_57, %dma_start3A_58] : memref<32768x1024xf32, #tpu.memory_space<hbm>> -> memref<8x1024xf32, #tpu.memory_space<hbm>>
    %dma_start3A_60 = arith.constant 0 : i32
    %dma_start3A_61 = tpu.memref_slice %arg2[%add3A_57, %dma_start3A_60] : memref<32768x1024xf32, #tpu.memory_space<hbm>> -> memref<8x1024xf32, #tpu.memory_space<hbm>>
    tpu.enqueue_dma source(%dma_start3A_61 : memref<8x1024xf32, #tpu.memory_space<hbm>>) target(%arg15 : memref<8x1024xf32, #tpu.memory_space<vmem>>) target_semaphore(%arg21 : memref<!tpu.dma_semaphore, #tpu.memory_space<semaphore_mem>>)
    %scan3A = arith.constant 0 : i32
    %scan3A_62 = arith.constant 0 : i32
    %scan3A_63 = arith.constant 10 : i32
    %scan3A_64 = arith.addi %scan3A_62, %scan3A_63 : i32
    %scan3A_65 = arith.constant 1 : i32
    %scan3A_66 = scf.for %scan3A_262 = %scan3A_62 to %scan3A_64 step %scan3A_65 iter_args(%scan3A_263 = %scan3A) -> (i32)  : i32 {
      %mul3A_264 = arith.constant 3 : i32
      %mul3A_265 = arith.muli %scan3A_262, %mul3A_264 : i32
      %add3A_266 = arith.constant 0 : i32
      %add3A_267 = arith.addi %mul3A_265, %add3A_266 : i32
      %mul3A_268 = arith.constant 8 : i32
      %mul3A_269 = arith.muli %add3A_267, %mul3A_268 : i32
      %add3A_270 = arith.addi %mul3A_2, %mul3A_269 : i32
      %dma_wait3A_271 = arith.constant 0 : i32
      %dma_wait3A_272 = tpu.memref_slice %arg3[%add3A_270, %dma_wait3A_271] : memref<8192x1024xf32, #tpu.memory_space<hbm>> -> memref<8x1024xf32, #tpu.memory_space<hbm>>
      %dma_wait3A_273 = arith.constant 0 : i32
      %dma_wait3A_274 = tpu.memref_slice %arg3[%add3A_270, %dma_wait3A_273] : memref<8192x1024xf32, #tpu.memory_space<hbm>> -> memref<8x1024xf32, #tpu.memory_space<hbm>>
      tpu.wait_dma2 semaphore(%arg23 : memref<!tpu.dma_semaphore, #tpu.memory_space<semaphore_mem>>) src(%dma_wait3A_274 : memref<8x1024xf32, #tpu.memory_space<hbm>>) dst(%arg17 : memref<8x1024xf32, #tpu.memory_space<vmem>>)
      %add3A_275 = arith.constant 0 : i32
      %add3A_276 = arith.addi %add3A_275, %add3A_270 : i32
      %dma_wait3A_277 = arith.constant 0 : i32
      %dma_wait3A_278 = tpu.memref_slice %arg2[%add3A_276, %dma_wait3A_277] : memref<32768x1024xf32, #tpu.memory_space<hbm>> -> memref<8x1024xf32, #tpu.memory_space<hbm>>
      %dma_wait3A_279 = arith.constant 0 : i32
      %dma_wait3A_280 = tpu.memref_slice %arg2[%add3A_276, %dma_wait3A_279] : memref<32768x1024xf32, #tpu.memory_space<hbm>> -> memref<8x1024xf32, #tpu.memory_space<hbm>>
      tpu.wait_dma2 semaphore(%arg20 : memref<!tpu.dma_semaphore, #tpu.memory_space<semaphore_mem>>) src(%dma_wait3A_280 : memref<8x1024xf32, #tpu.memory_space<hbm>>) dst(%arg5 : memref<8x1024xf32, #tpu.memory_space<vmem>>)
      %add3A_281 = arith.constant 8192 : i32
      %add3A_282 = arith.addi %add3A_281, %add3A_270 : i32
      %dma_wait3A_283 = arith.constant 0 : i32
      %dma_wait3A_284 = tpu.memref_slice %arg2[%add3A_282, %dma_wait3A_283] : memref<32768x1024xf32, #tpu.memory_space<hbm>> -> memref<8x1024xf32, #tpu.memory_space<hbm>>
      %dma_wait3A_285 = arith.constant 0 : i32
      %dma_wait3A_286 = tpu.memref_slice %arg2[%add3A_282, %dma_wait3A_285] : memref<32768x1024xf32, #tpu.memory_space<hbm>> -> memref<8x1024xf32, #tpu.memory_space<hbm>>
      tpu.wait_dma2 semaphore(%arg20 : memref<!tpu.dma_semaphore, #tpu.memory_space<semaphore_mem>>) src(%dma_wait3A_286 : memref<8x1024xf32, #tpu.memory_space<hbm>>) dst(%arg8 : memref<8x1024xf32, #tpu.memory_space<vmem>>)
      %add3A_287 = arith.constant 16384 : i32
      %add3A_288 = arith.addi %add3A_287, %add3A_270 : i32
      %dma_wait3A_289 = arith.constant 0 : i32
      %dma_wait3A_290 = tpu.memref_slice %arg2[%add3A_288, %dma_wait3A_289] : memref<32768x1024xf32, #tpu.memory_space<hbm>> -> memref<8x1024xf32, #tpu.memory_space<hbm>>
      %dma_wait3A_291 = arith.constant 0 : i32
      %dma_wait3A_292 = tpu.memref_slice %arg2[%add3A_288, %dma_wait3A_291] : memref<32768x1024xf32, #tpu.memory_space<hbm>> -> memref<8x1024xf32, #tpu.memory_space<hbm>>
      tpu.wait_dma2 semaphore(%arg20 : memref<!tpu.dma_semaphore, #tpu.memory_space<semaphore_mem>>) src(%dma_wait3A_292 : memref<8x1024xf32, #tpu.memory_space<hbm>>) dst(%arg11 : memref<8x1024xf32, #tpu.memory_space<vmem>>)
      %add3A_293 = arith.constant 24576 : i32
      %add3A_294 = arith.addi %add3A_293, %add3A_270 : i32
      %dma_wait3A_295 = arith.constant 0 : i32
      %dma_wait3A_296 = tpu.memref_slice %arg2[%add3A_294, %dma_wait3A_295] : memref<32768x1024xf32, #tpu.memory_space<hbm>> -> memref<8x1024xf32, #tpu.memory_space<hbm>>
      %dma_wait3A_297 = arith.constant 0 : i32
      %dma_wait3A_298 = tpu.memref_slice %arg2[%add3A_294, %dma_wait3A_297] : memref<32768x1024xf32, #tpu.memory_space<hbm>> -> memref<8x1024xf32, #tpu.memory_space<hbm>>
      tpu.wait_dma2 semaphore(%arg20 : memref<!tpu.dma_semaphore, #tpu.memory_space<semaphore_mem>>) src(%dma_wait3A_298 : memref<8x1024xf32, #tpu.memory_space<hbm>>) dst(%arg14 : memref<8x1024xf32, #tpu.memory_space<vmem>>)
      %parallel_loop3A_299 = arith.constant 0 : i32
      %parallel_loop3A_300 = arith.constant 512 : i32
      %parallel_loop3A_301 = arith.constant 1 : i32
      scf.for %parallel_loop3A_492 = %parallel_loop3A_299 to %parallel_loop3A_300 step %parallel_loop3A_301  : i32 {
        %parallel_loop3A_493 = arith.constant 6 : i32
        %parallel_loop3A_494 = arith.shrsi %parallel_loop3A_492, %parallel_loop3A_493 : i32
        %parallel_loop3A_495 = arith.constant 63 : i32
        %parallel_loop3A_496 = arith.andi %parallel_loop3A_492, %parallel_loop3A_495 : i32
        %parallel_loop3A_497 = arith.constant 16 : i32
        %parallel_loop3A_498 = arith.muli %parallel_loop3A_496, %parallel_loop3A_497 : i32
        %parallel_loop3A_499 = arith.index_cast %parallel_loop3A_494 : i32 to index
        %parallel_loop3A_500 = arith.index_cast %parallel_loop3A_498 : i32 to index
        %parallel_loop3A_501 = tpu.vector_load %arg17[%parallel_loop3A_499, %parallel_loop3A_500] {strides = array<i32>} : memref<8x1024xf32, #tpu.memory_space<vmem>>, vector<1x16xf32>,
        %parallel_loop3A_502 = vector.shape_cast %parallel_loop3A_501 : vector<1x16xf32> to vector<16xf32>
        %parallel_loop3A_503 = arith.index_cast %parallel_loop3A_494 : i32 to index
        %parallel_loop3A_504 = arith.index_cast %parallel_loop3A_498 : i32 to index
        %parallel_loop3A_505 = tpu.vector_load %arg5[%parallel_loop3A_503, %parallel_loop3A_504] {strides = array<i32>} : memref<8x1024xf32, #tpu.memory_space<vmem>>, vector<1x16xf32>,
        %parallel_loop3A_506 = vector.shape_cast %parallel_loop3A_505 : vector<1x16xf32> to vector<16xf32>
        %parallel_loop3A_507 = arith.addf %parallel_loop3A_506, %parallel_loop3A_502 : vector<16xf32>
        %parallel_loop3A_508 = arith.index_cast %parallel_loop3A_494 : i32 to index
        %parallel_loop3A_509 = arith.index_cast %parallel_loop3A_498 : i32 to index
        %parallel_loop3A_510 = tpu.vector_load %arg5[%parallel_loop3A_508, %parallel_loop3A_509] {strides = array<i32>} : memref<8x1024xf32, #tpu.memory_space<vmem>>, vector<1x16xf32>,
        %parallel_loop3A_511 = vector.shape_cast %parallel_loop3A_510 : vector<1x16xf32> to vector<16xf32>
        %parallel_loop3A_512 = vector.shape_cast %parallel_loop3A_507 : vector<16xf32> to vector<1x16xf32>
        tpu.vector_store %arg5[%parallel_loop3A_508, %parallel_loop3A_509], %parallel_loop3A_512 {strides = array<i32>} : memref<8x1024xf32, #tpu.memory_space<vmem>>, vector<1x16xf32>,
        %parallel_loop3A_513 = arith.index_cast %parallel_loop3A_494 : i32 to index
        %parallel_loop3A_514 = arith.index_cast %parallel_loop3A_498 : i32 to index
        %parallel_loop3A_515 = tpu.vector_load %arg8[%parallel_loop3A_513, %parallel_loop3A_514] {strides = array<i32>} : memref<8x1024xf32, #tpu.memory_space<vmem>>, vector<1x16xf32>,
        %parallel_loop3A_516 = vector.shape_cast %parallel_loop3A_515 : vector<1x16xf32> to vector<16xf32>
        %parallel_loop3A_517 = arith.addf %parallel_loop3A_516, %parallel_loop3A_502 : vector<16xf32>
        %parallel_loop3A_518 = arith.index_cast %parallel_loop3A_494 : i32 to index
        %parallel_loop3A_519 = arith.index_cast %parallel_loop3A_498 : i32 to index
        %parallel_loop3A_520 = tpu.vector_load %arg8[%parallel_loop3A_518, %parallel_loop3A_519] {strides = array<i32>} : memref<8x1024xf32, #tpu.memory_space<vmem>>, vector<1x16xf32>,
        %parallel_loop3A_521 = vector.shape_cast %parallel_loop3A_520 : vector<1x16xf32> to vector<16xf32>
        %parallel_loop3A_522 = vector.shape_cast %parallel_loop3A_517 : vector<16xf32> to vector<1x16xf32>
        tpu.vector_store %arg8[%parallel_loop3A_518, %parallel_loop3A_519], %parallel_loop3A_522 {strides = array<i32>} : memref<8x1024xf32, #tpu.memory_space<vmem>>, vector<1x16xf32>,
        %parallel_loop3A_523 = arith.index_cast %parallel_loop3A_494 : i32 to index
        %parallel_loop3A_524 = arith.index_cast %parallel_loop3A_498 : i32 to index
        %parallel_loop3A_525 = tpu.vector_load %arg11[%parallel_loop3A_523, %parallel_loop3A_524] {strides = array<i32>} : memref<8x1024xf32, #tpu.memory_space<vmem>>, vector<1x16xf32>,
        %parallel_loop3A_526 = vector.shape_cast %parallel_loop3A_525 : vector<1x16xf32> to vector<16xf32>
        %parallel_loop3A_527 = arith.addf %parallel_loop3A_526, %parallel_loop3A_502 : vector<16xf32>
        %parallel_loop3A_528 = arith.index_cast %parallel_loop3A_494 : i32 to index
        %parallel_loop3A_529 = arith.index_cast %parallel_loop3A_498 : i32 to index
        %parallel_loop3A_530 = tpu.vector_load %arg11[%parallel_loop3A_528, %parallel_loop3A_529] {strides = array<i32>} : memref<8x1024xf32, #tpu.memory_space<vmem>>, vector<1x16xf32>,
        %parallel_loop3A_531 = vector.shape_cast %parallel_loop3A_530 : vector<1x16xf32> to vector<16xf32>
        %parallel_loop3A_532 = vector.shape_cast %parallel_loop3A_527 : vector<16xf32> to vector<1x16xf32>
        tpu.vector_store %arg11[%parallel_loop3A_528, %parallel_loop3A_529], %parallel_loop3A_532 {strides = array<i32>} : memref<8x1024xf32, #tpu.memory_space<vmem>>, vector<1x16xf32>,
        %parallel_loop3A_533 = arith.index_cast %parallel_loop3A_494 : i32 to index
        %parallel_loop3A_534 = arith.index_cast %parallel_loop3A_498 : i32 to index
        %parallel_loop3A_535 = tpu.vector_load %arg14[%parallel_loop3A_533, %parallel_loop3A_534] {strides = array<i32>} : memref<8x1024xf32, #tpu.memory_space<vmem>>, vector<1x16xf32>,
        %parallel_loop3A_536 = vector.shape_cast %parallel_loop3A_535 : vector<1x16xf32> to vector<16xf32>
        %parallel_loop3A_537 = arith.addf %parallel_loop3A_536, %parallel_loop3A_502 : vector<16xf32>
        %parallel_loop3A_538 = arith.index_cast %parallel_loop3A_494 : i32 to index
        %parallel_loop3A_539 = arith.index_cast %parallel_loop3A_498 : i32 to index
        %parallel_loop3A_540 = tpu.vector_load %arg14[%parallel_loop3A_538, %parallel_loop3A_539] {strides = array<i32>} : memref<8x1024xf32, #tpu.memory_space<vmem>>, vector<1x16xf32>,
        %parallel_loop3A_541 = vector.shape_cast %parallel_loop3A_540 : vector<1x16xf32> to vector<16xf32>
        %parallel_loop3A_542 = vector.shape_cast %parallel_loop3A_537 : vector<16xf32> to vector<1x16xf32>
        tpu.vector_store %arg14[%parallel_loop3A_538, %parallel_loop3A_539], %parallel_loop3A_542 {strides = array<i32>} : memref<8x1024xf32, #tpu.memory_space<vmem>>, vector<1x16xf32>,
      } {sc.loop_unroll_factor = 8 : i64, sc.parallel_access}
      %mul3A_302 = arith.constant 8 : i32
      %mul3A_303 = arith.muli %add3A_267, %mul3A_302 : i32
      %add3A_304 = arith.addi %mul3A_2, %mul3A_303 : i32
      %add3A_305 = arith.constant 0 : i32
      %add3A_306 = arith.addi %add3A_305, %add3A_304 : i32
      %dma_start3A_307 = arith.constant 0 : i32
      %dma_start3A_308 = tpu.memref_slice %arg4[%add3A_306, %dma_start3A_307] : memref<32768x1024xf32, #tpu.memory_space<hbm>> -> memref<8x1024xf32, #tpu.memory_space<hbm>>
      %dma_start3A_309 = arith.constant 0 : i32
      %dma_start3A_310 = tpu.memref_slice %arg4[%add3A_306, %dma_start3A_309] : memref<32768x1024xf32, #tpu.memory_space<hbm>> -> memref<8x1024xf32, #tpu.memory_space<hbm>>
      tpu.enqueue_dma source(%arg5 : memref<8x1024xf32, #tpu.memory_space<vmem>>) target(%dma_start3A_310 : memref<8x1024xf32, #tpu.memory_space<hbm>>) target_semaphore(%arg26 : memref<!tpu.dma_semaphore, #tpu.memory_space<semaphore_mem>>)
      %add3A_311 = arith.constant 8192 : i32
      %add3A_312 = arith.addi %add3A_311, %add3A_304 : i32
      %dma_start3A_313 = arith.constant 0 : i32
      %dma_start3A_314 = tpu.memref_slice %arg4[%add3A_312, %dma_start3A_313] : memref<32768x1024xf32, #tpu.memory_space<hbm>> -> memref<8x1024xf32, #tpu.memory_space<hbm>>
      %dma_start3A_315 = arith.constant 0 : i32
      %dma_start3A_316 = tpu.memref_slice %arg4[%add3A_312, %dma_start3A_315] : memref<32768x1024xf32, #tpu.memory_space<hbm>> -> memref<8x1024xf32, #tpu.memory_space<hbm>>
      tpu.enqueue_dma source(%arg8 : memref<8x1024xf32, #tpu.memory_space<vmem>>) target(%dma_start3A_316 : memref<8x1024xf32, #tpu.memory_space<hbm>>) target_semaphore(%arg26 : memref<!tpu.dma_semaphore, #tpu.memory_space<semaphore_mem>>)
      %add3A_317 = arith.constant 16384 : i32
      %add3A_318 = arith.addi %add3A_317, %add3A_304 : i32
      %dma_start3A_319 = arith.constant 0 : i32
      %dma_start3A_320 = tpu.memref_slice %arg4[%add3A_318, %dma_start3A_319] : memref<32768x1024xf32, #tpu.memory_space<hbm>> -> memref<8x1024xf32, #tpu.memory_space<hbm>>
      %dma_start3A_321 = arith.constant 0 : i32
      %dma_start3A_322 = tpu.memref_slice %arg4[%add3A_318, %dma_start3A_321] : memref<32768x1024xf32, #tpu.memory_space<hbm>> -> memref<8x1024xf32, #tpu.memory_space<hbm>>
      tpu.enqueue_dma source(%arg11 : memref<8x1024xf32, #tpu.memory_space<vmem>>) target(%dma_start3A_322 : memref<8x1024xf32, #tpu.memory_space<hbm>>) target_semaphore(%arg26 : memref<!tpu.dma_semaphore, #tpu.memory_space<semaphore_mem>>)
      %add3A_323 = arith.constant 24576 : i32
      %add3A_324 = arith.addi %add3A_323, %add3A_304 : i32
      %dma_start3A_325 = arith.constant 0 : i32
      %dma_start3A_326 = tpu.memref_slice %arg4[%add3A_324, %dma_start3A_325] : memref<32768x1024xf32, #tpu.memory_space<hbm>> -> memref<8x1024xf32, #tpu.memory_space<hbm>>
      %dma_start3A_327 = arith.constant 0 : i32
      %dma_start3A_328 = tpu.memref_slice %arg4[%add3A_324, %dma_start3A_327] : memref<32768x1024xf32, #tpu.memory_space<hbm>> -> memref<8x1024xf32, #tpu.memory_space<hbm>>
      tpu.enqueue_dma source(%arg14 : memref<8x1024xf32, #tpu.memory_space<vmem>>) target(%dma_start3A_328 : memref<8x1024xf32, #tpu.memory_space<hbm>>) target_semaphore(%arg26 : memref<!tpu.dma_semaphore, #tpu.memory_space<semaphore_mem>>)
      %ge3A = arith.constant 1 : i32
      %ge3A_329 = arith.cmpi sge, %add3A_267, %ge3A : i32
      %convert_element_type3A = arith.extui %ge3A_329 : i1 to i32
      %cond3A = arith.constant 0 : i32
      %cond3A_330 = arith.cmpi ne, %convert_element_type3A, %cond3A : i32
      scf.if %cond3A_330 {
        %sub3A = arith.constant 1 : i32
        %sub3A_492 = arith.subi %add3A_267, %sub3A : i32
        %mul3A_493 = arith.constant 8 : i32
        %mul3A_494 = arith.muli %sub3A_492, %mul3A_493 : i32
        %add3A_495 = arith.addi %mul3A_2, %mul3A_494 : i32
        %add3A_496 = arith.constant 0 : i32
        %add3A_497 = arith.addi %add3A_496, %add3A_495 : i32
        %dma_wait3A_498 = arith.constant 0 : i32
        %dma_wait3A_499 = tpu.memref_slice %arg4[%add3A_497, %dma_wait3A_498] : memref<32768x1024xf32, #tpu.memory_space<hbm>> -> memref<8x1024xf32, #tpu.memory_space<hbm>>
        %dma_wait3A_500 = arith.constant 0 : i32
        %dma_wait3A_501 = tpu.memref_slice %arg4[%add3A_497, %dma_wait3A_500] : memref<32768x1024xf32, #tpu.memory_space<hbm>> -> memref<8x1024xf32, #tpu.memory_space<hbm>>
        tpu.wait_dma2 semaphore(%arg28 : memref<!tpu.dma_semaphore, #tpu.memory_space<semaphore_mem>>) src(%arg7 : memref<8x1024xf32, #tpu.memory_space<vmem>>) dst(%dma_wait3A_501 : memref<8x1024xf32, #tpu.memory_space<hbm>>)
        %add3A_502 = arith.constant 8192 : i32
        %add3A_503 = arith.addi %add3A_502, %add3A_495 : i32
        %dma_wait3A_504 = arith.constant 0 : i32
        %dma_wait3A_505 = tpu.memref_slice %arg4[%add3A_503, %dma_wait3A_504] : memref<32768x1024xf32, #tpu.memory_space<hbm>> -> memref<8x1024xf32, #tpu.memory_space<hbm>>
        %dma_wait3A_506 = arith.constant 0 : i32
        %dma_wait3A_507 = tpu.memref_slice %arg4[%add3A_503, %dma_wait3A_506] : memref<32768x1024xf32, #tpu.memory_space<hbm>> -> memref<8x1024xf32, #tpu.memory_space<hbm>>
        tpu.wait_dma2 semaphore(%arg28 : memref<!tpu.dma_semaphore, #tpu.memory_space<semaphore_mem>>) src(%arg10 : memref<8x1024xf32, #tpu.memory_space<vmem>>) dst(%dma_wait3A_507 : memref<8x1024xf32, #tpu.memory_space<hbm>>)
        %add3A_508 = arith.constant 16384 : i32
        %add3A_509 = arith.addi %add3A_508, %add3A_495 : i32
        %dma_wait3A_510 = arith.constant 0 : i32
        %dma_wait3A_511 = tpu.memref_slice %arg4[%add3A_509, %dma_wait3A_510] : memref<32768x1024xf32, #tpu.memory_space<hbm>> -> memref<8x1024xf32, #tpu.memory_space<hbm>>
        %dma_wait3A_512 = arith.constant 0 : i32
        %dma_wait3A_513 = tpu.memref_slice %arg4[%add3A_509, %dma_wait3A_512] : memref<32768x1024xf32, #tpu.memory_space<hbm>> -> memref<8x1024xf32, #tpu.memory_space<hbm>>
        tpu.wait_dma2 semaphore(%arg28 : memref<!tpu.dma_semaphore, #tpu.memory_space<semaphore_mem>>) src(%arg13 : memref<8x1024xf32, #tpu.memory_space<vmem>>) dst(%dma_wait3A_513 : memref<8x1024xf32, #tpu.memory_space<hbm>>)
        %add3A_514 = arith.constant 24576 : i32
        %add3A_515 = arith.addi %add3A_514, %add3A_495 : i32
        %dma_wait3A_516 = arith.constant 0 : i32
        %dma_wait3A_517 = tpu.memref_slice %arg4[%add3A_515, %dma_wait3A_516] : memref<32768x1024xf32, #tpu.memory_space<hbm>> -> memref<8x1024xf32, #tpu.memory_space<hbm>>
        %dma_wait3A_518 = arith.constant 0 : i32
        %dma_wait3A_519 = tpu.memref_slice %arg4[%add3A_515, %dma_wait3A_518] : memref<32768x1024xf32, #tpu.memory_space<hbm>> -> memref<8x1024xf32, #tpu.memory_space<hbm>>
        tpu.wait_dma2 semaphore(%arg28 : memref<!tpu.dma_semaphore, #tpu.memory_space<semaphore_mem>>) src(%arg16 : memref<8x1024xf32, #tpu.memory_space<vmem>>) dst(%dma_wait3A_519 : memref<8x1024xf32, #tpu.memory_space<hbm>>)
      } else {
      }
      %add3A_331 = arith.constant 2 : i32
      %add3A_332 = arith.addi %add3A_267, %add3A_331 : i32
      %lt3A = arith.constant 32 : i32
      %lt3A_333 = arith.cmpi slt, %add3A_332, %lt3A : i32
      %convert_element_type3A_334 = arith.extui %lt3A_333 : i1 to i32
      %cond3A_335 = arith.constant 0 : i32
      %cond3A_336 = arith.cmpi ne, %convert_element_type3A_334, %cond3A_335 : i32
      scf.if %cond3A_336 {
        %add3A_492 = arith.constant 2 : i32
        %add3A_493 = arith.addi %add3A_267, %add3A_492 : i32
        %mul3A_494 = arith.constant 8 : i32
        %mul3A_495 = arith.muli %add3A_493, %mul3A_494 : i32
        %add3A_496 = arith.addi %mul3A_2, %mul3A_495 : i32
        %dma_start3A_497 = arith.constant 0 : i32
        %dma_start3A_498 = tpu.memref_slice %arg3[%add3A_496, %dma_start3A_497] : memref<8192x1024xf32, #tpu.memory_space<hbm>> -> memref<8x1024xf32, #tpu.memory_space<hbm>>
        %dma_start3A_499 = arith.constant 0 : i32
        %dma_start3A_500 = tpu.memref_slice %arg3[%add3A_496, %dma_start3A_499] : memref<8192x1024xf32, #tpu.memory_space<hbm>> -> memref<8x1024xf32, #tpu.memory_space<hbm>>
        tpu.enqueue_dma source(%dma_start3A_500 : memref<8x1024xf32, #tpu.memory_space<hbm>>) target(%arg19 : memref<8x1024xf32, #tpu.memory_space<vmem>>) target_semaphore(%arg25 : memref<!tpu.dma_semaphore, #tpu.memory_space<semaphore_mem>>)
        %add3A_501 = arith.constant 0 : i32
        %add3A_502 = arith.addi %add3A_501, %add3A_496 : i32
        %dma_start3A_503 = arith.constant 0 : i32
        %dma_start3A_504 = tpu.memref_slice %arg2[%add3A_502, %dma_start3A_503] : memref<32768x1024xf32, #tpu.memory_space<hbm>> -> memref<8x1024xf32, #tpu.memory_space<hbm>>
        %dma_start3A_505 = arith.constant 0 : i32
        %dma_start3A_506 = tpu.memref_slice %arg2[%add3A_502, %dma_start3A_505] : memref<32768x1024xf32, #tpu.memory_space<hbm>> -> memref<8x1024xf32, #tpu.memory_space<hbm>>
        tpu.enqueue_dma source(%dma_start3A_506 : memref<8x1024xf32, #tpu.memory_space<hbm>>) target(%arg7 : memref<8x1024xf32, #tpu.memory_space<vmem>>) target_semaphore(%arg22 : memref<!tpu.dma_semaphore, #tpu.memory_space<semaphore_mem>>)
        %add3A_507 = arith.constant 8192 : i32
        %add3A_508 = arith.addi %add3A_507, %add3A_496 : i32
        %dma_start3A_509 = arith.constant 0 : i32
        %dma_start3A_510 = tpu.memref_slice %arg2[%add3A_508, %dma_start3A_509] : memref<32768x1024xf32, #tpu.memory_space<hbm>> -> memref<8x1024xf32, #tpu.memory_space<hbm>>
        %dma_start3A_511 = arith.constant 0 : i32
        %dma_start3A_512 = tpu.memref_slice %arg2[%add3A_508, %dma_start3A_511] : memref<32768x1024xf32, #tpu.memory_space<hbm>> -> memref<8x1024xf32, #tpu.memory_space<hbm>>
        tpu.enqueue_dma source(%dma_start3A_512 : memref<8x1024xf32, #tpu.memory_space<hbm>>) target(%arg10 : memref<8x1024xf32, #tpu.memory_space<vmem>>) target_semaphore(%arg22 : memref<!tpu.dma_semaphore, #tpu.memory_space<semaphore_mem>>)
        %add3A_513 = arith.constant 16384 : i32
        %add3A_514 = arith.addi %add3A_513, %add3A_496 : i32
        %dma_start3A_515 = arith.constant 0 : i32
        %dma_start3A_516 = tpu.memref_slice %arg2[%add3A_514, %dma_start3A_515] : memref<32768x1024xf32, #tpu.memory_space<hbm>> -> memref<8x1024xf32, #tpu.memory_space<hbm>>
        %dma_start3A_517 = arith.constant 0 : i32
        %dma_start3A_518 = tpu.memref_slice %arg2[%add3A_514, %dma_start3A_517] : memref<32768x1024xf32, #tpu.memory_space<hbm>> -> memref<8x1024xf32, #tpu.memory_space<hbm>>
        tpu.enqueue_dma source(%dma_start3A_518 : memref<8x1024xf32, #tpu.memory_space<hbm>>) target(%arg13 : memref<8x1024xf32, #tpu.memory_space<vmem>>) target_semaphore(%arg22 : memref<!tpu.dma_semaphore, #tpu.memory_space<semaphore_mem>>)
        %add3A_519 = arith.constant 24576 : i32
        %add3A_520 = arith.addi %add3A_519, %add3A_496 : i32
        %dma_start3A_521 = arith.constant 0 : i32
        %dma_start3A_522 = tpu.memref_slice %arg2[%add3A_520, %dma_start3A_521] : memref<32768x1024xf32, #tpu.memory_space<hbm>> -> memref<8x1024xf32, #tpu.memory_space<hbm>>
        %dma_start3A_523 = arith.constant 0 : i32
        %dma_start3A_524 = tpu.memref_slice %arg2[%add3A_520, %dma_start3A_523] : memref<32768x1024xf32, #tpu.memory_space<hbm>> -> memref<8x1024xf32, #tpu.memory_space<hbm>>
        tpu.enqueue_dma source(%dma_start3A_524 : memref<8x1024xf32, #tpu.memory_space<hbm>>) target(%arg16 : memref<8x1024xf32, #tpu.memory_space<vmem>>) target_semaphore(%arg22 : memref<!tpu.dma_semaphore, #tpu.memory_space<semaphore_mem>>)
      } else {
      }
      %mul3A_337 = arith.constant 3 : i32
      %mul3A_338 = arith.muli %scan3A_262, %mul3A_337 : i32
      %add3A_339 = arith.constant 1 : i32
      %add3A_340 = arith.addi %mul3A_338, %add3A_339 : i32
      %mul3A_341 = arith.constant 8 : i32
      %mul3A_342 = arith.muli %add3A_340, %mul3A_341 : i32
      %add3A_343 = arith.addi %mul3A_2, %mul3A_342 : i32
      %dma_wait3A_344 = arith.constant 0 : i32
      %dma_wait3A_345 = tpu.memref_slice %arg3[%add3A_343, %dma_wait3A_344] : memref<8192x1024xf32, #tpu.memory_space<hbm>> -> memref<8x1024xf32, #tpu.memory_space<hbm>>
      %dma_wait3A_346 = arith.constant 0 : i32
      %dma_wait3A_347 = tpu.memref_slice %arg3[%add3A_343, %dma_wait3A_346] : memref<8192x1024xf32, #tpu.memory_space<hbm>> -> memref<8x1024xf32, #tpu.memory_space<hbm>>
      tpu.wait_dma2 semaphore(%arg24 : memref<!tpu.dma_semaphore, #tpu.memory_space<semaphore_mem>>) src(%dma_wait3A_347 : memref<8x1024xf32, #tpu.memory_space<hbm>>) dst(%arg18 : memref<8x1024xf32, #tpu.memory_space<vmem>>)
      %add3A_348 = arith.constant 0 : i32
      %add3A_349 = arith.addi %add3A_348, %add3A_343 : i32
      %dma_wait3A_350 = arith.constant 0 : i32
      %dma_wait3A_351 = tpu.memref_slice %arg2[%add3A_349, %dma_wait3A_350] : memref<32768x1024xf32, #tpu.memory_space<hbm>> -> memref<8x1024xf32, #tpu.memory_space<hbm>>
      %dma_wait3A_352 = arith.constant 0 : i32
      %dma_wait3A_353 = tpu.memref_slice %arg2[%add3A_349, %dma_wait3A_352] : memref<32768x1024xf32, #tpu.memory_space<hbm>> -> memref<8x1024xf32, #tpu.memory_space<hbm>>
      tpu.wait_dma2 semaphore(%arg21 : memref<!tpu.dma_semaphore, #tpu.memory_space<semaphore_mem>>) src(%dma_wait3A_353 : memref<8x1024xf32, #tpu.memory_space<hbm>>) dst(%arg6 : memref<8x1024xf32, #tpu.memory_space<vmem>>)
      %add3A_354 = arith.constant 8192 : i32
      %add3A_355 = arith.addi %add3A_354, %add3A_343 : i32
      %dma_wait3A_356 = arith.constant 0 : i32
      %dma_wait3A_357 = tpu.memref_slice %arg2[%add3A_355, %dma_wait3A_356] : memref<32768x1024xf32, #tpu.memory_space<hbm>> -> memref<8x1024xf32, #tpu.memory_space<hbm>>
      %dma_wait3A_358 = arith.constant 0 : i32
      %dma_wait3A_359 = tpu.memref_slice %arg2[%add3A_355, %dma_wait3A_358] : memref<32768x1024xf32, #tpu.memory_space<hbm>> -> memref<8x1024xf32, #tpu.memory_space<hbm>>
      tpu.wait_dma2 semaphore(%arg21 : memref<!tpu.dma_semaphore, #tpu.memory_space<semaphore_mem>>) src(%dma_wait3A_359 : memref<8x1024xf32, #tpu.memory_space<hbm>>) dst(%arg9 : memref<8x1024xf32, #tpu.memory_space<vmem>>)
      %add3A_360 = arith.constant 16384 : i32
      %add3A_361 = arith.addi %add3A_360, %add3A_343 : i32
      %dma_wait3A_362 = arith.constant 0 : i32
      %dma_wait3A_363 = tpu.memref_slice %arg2[%add3A_361, %dma_wait3A_362] : memref<32768x1024xf32, #tpu.memory_space<hbm>> -> memref<8x1024xf32, #tpu.memory_space<hbm>>
      %dma_wait3A_364 = arith.constant 0 : i32
      %dma_wait3A_365 = tpu.memref_slice %arg2[%add3A_361, %dma_wait3A_364] : memref<32768x1024xf32, #tpu.memory_space<hbm>> -> memref<8x1024xf32, #tpu.memory_space<hbm>>
      tpu.wait_dma2 semaphore(%arg21 : memref<!tpu.dma_semaphore, #tpu.memory_space<semaphore_mem>>) src(%dma_wait3A_365 : memref<8x1024xf32, #tpu.memory_space<hbm>>) dst(%arg12 : memref<8x1024xf32, #tpu.memory_space<vmem>>)
      %add3A_366 = arith.constant 24576 : i32
      %add3A_367 = arith.addi %add3A_366, %add3A_343 : i32
      %dma_wait3A_368 = arith.constant 0 : i32
      %dma_wait3A_369 = tpu.memref_slice %arg2[%add3A_367, %dma_wait3A_368] : memref<32768x1024xf32, #tpu.memory_space<hbm>> -> memref<8x1024xf32, #tpu.memory_space<hbm>>
      %dma_wait3A_370 = arith.constant 0 : i32
      %dma_wait3A_371 = tpu.memref_slice %arg2[%add3A_367, %dma_wait3A_370] : memref<32768x1024xf32, #tpu.memory_space<hbm>> -> memref<8x1024xf32, #tpu.memory_space<hbm>>
      tpu.wait_dma2 semaphore(%arg21 : memref<!tpu.dma_semaphore, #tpu.memory_space<semaphore_mem>>) src(%dma_wait3A_371 : memref<8x1024xf32, #tpu.memory_space<hbm>>) dst(%arg15 : memref<8x1024xf32, #tpu.memory_space<vmem>>)
      %parallel_loop3A_372 = arith.constant 0 : i32
      %parallel_loop3A_373 = arith.constant 512 : i32
      %parallel_loop3A_374 = arith.constant 1 : i32
      scf.for %parallel_loop3A_492 = %parallel_loop3A_372 to %parallel_loop3A_373 step %parallel_loop3A_374  : i32 {
        %parallel_loop3A_493 = arith.constant 6 : i32
        %parallel_loop3A_494 = arith.shrsi %parallel_loop3A_492, %parallel_loop3A_493 : i32
        %parallel_loop3A_495 = arith.constant 63 : i32
        %parallel_loop3A_496 = arith.andi %parallel_loop3A_492, %parallel_loop3A_495 : i32
        %parallel_loop3A_497 = arith.constant 16 : i32
        %parallel_loop3A_498 = arith.muli %parallel_loop3A_496, %parallel_loop3A_497 : i32
        %parallel_loop3A_499 = arith.index_cast %parallel_loop3A_494 : i32 to index
        %parallel_loop3A_500 = arith.index_cast %parallel_loop3A_498 : i32 to index
        %parallel_loop3A_501 = tpu.vector_load %arg18[%parallel_loop3A_499, %parallel_loop3A_500] {strides = array<i32>} : memref<8x1024xf32, #tpu.memory_space<vmem>>, vector<1x16xf32>,
        %parallel_loop3A_502 = vector.shape_cast %parallel_loop3A_501 : vector<1x16xf32> to vector<16xf32>
        %parallel_loop3A_503 = arith.index_cast %parallel_loop3A_494 : i32 to index
        %parallel_loop3A_504 = arith.index_cast %parallel_loop3A_498 : i32 to index
        %parallel_loop3A_505 = tpu.vector_load %arg6[%parallel_loop3A_503, %parallel_loop3A_504] {strides = array<i32>} : memref<8x1024xf32, #tpu.memory_space<vmem>>, vector<1x16xf32>,
        %parallel_loop3A_506 = vector.shape_cast %parallel_loop3A_505 : vector<1x16xf32> to vector<16xf32>
        %parallel_loop3A_507 = arith.addf %parallel_loop3A_506, %parallel_loop3A_502 : vector<16xf32>
        %parallel_loop3A_508 = arith.index_cast %parallel_loop3A_494 : i32 to index
        %parallel_loop3A_509 = arith.index_cast %parallel_loop3A_498 : i32 to index
        %parallel_loop3A_510 = tpu.vector_load %arg6[%parallel_loop3A_508, %parallel_loop3A_509] {strides = array<i32>} : memref<8x1024xf32, #tpu.memory_space<vmem>>, vector<1x16xf32>,
        %parallel_loop3A_511 = vector.shape_cast %parallel_loop3A_510 : vector<1x16xf32> to vector<16xf32>
        %parallel_loop3A_512 = vector.shape_cast %parallel_loop3A_507 : vector<16xf32> to vector<1x16xf32>
        tpu.vector_store %arg6[%parallel_loop3A_508, %parallel_loop3A_509], %parallel_loop3A_512 {strides = array<i32>} : memref<8x1024xf32, #tpu.memory_space<vmem>>, vector<1x16xf32>,
        %parallel_loop3A_513 = arith.index_cast %parallel_loop3A_494 : i32 to index
        %parallel_loop3A_514 = arith.index_cast %parallel_loop3A_498 : i32 to index
        %parallel_loop3A_515 = tpu.vector_load %arg9[%parallel_loop3A_513, %parallel_loop3A_514] {strides = array<i32>} : memref<8x1024xf32, #tpu.memory_space<vmem>>, vector<1x16xf32>,
        %parallel_loop3A_516 = vector.shape_cast %parallel_loop3A_515 : vector<1x16xf32> to vector<16xf32>
        %parallel_loop3A_517 = arith.addf %parallel_loop3A_516, %parallel_loop3A_502 : vector<16xf32>
        %parallel_loop3A_518 = arith.index_cast %parallel_loop3A_494 : i32 to index
        %parallel_loop3A_519 = arith.index_cast %parallel_loop3A_498 : i32 to index
        %parallel_loop3A_520 = tpu.vector_load %arg9[%parallel_loop3A_518, %parallel_loop3A_519] {strides = array<i32>} : memref<8x1024xf32, #tpu.memory_space<vmem>>, vector<1x16xf32>,
        %parallel_loop3A_521 = vector.shape_cast %parallel_loop3A_520 : vector<1x16xf32> to vector<16xf32>
        %parallel_loop3A_522 = vector.shape_cast %parallel_loop3A_517 : vector<16xf32> to vector<1x16xf32>
        tpu.vector_store %arg9[%parallel_loop3A_518, %parallel_loop3A_519], %parallel_loop3A_522 {strides = array<i32>} : memref<8x1024xf32, #tpu.memory_space<vmem>>, vector<1x16xf32>,
        %parallel_loop3A_523 = arith.index_cast %parallel_loop3A_494 : i32 to index
        %parallel_loop3A_524 = arith.index_cast %parallel_loop3A_498 : i32 to index
        %parallel_loop3A_525 = tpu.vector_load %arg12[%parallel_loop3A_523, %parallel_loop3A_524] {strides = array<i32>} : memref<8x1024xf32, #tpu.memory_space<vmem>>, vector<1x16xf32>,
        %parallel_loop3A_526 = vector.shape_cast %parallel_loop3A_525 : vector<1x16xf32> to vector<16xf32>
        %parallel_loop3A_527 = arith.addf %parallel_loop3A_526, %parallel_loop3A_502 : vector<16xf32>
        %parallel_loop3A_528 = arith.index_cast %parallel_loop3A_494 : i32 to index
        %parallel_loop3A_529 = arith.index_cast %parallel_loop3A_498 : i32 to index
        %parallel_loop3A_530 = tpu.vector_load %arg12[%parallel_loop3A_528, %parallel_loop3A_529] {strides = array<i32>} : memref<8x1024xf32, #tpu.memory_space<vmem>>, vector<1x16xf32>,
        %parallel_loop3A_531 = vector.shape_cast %parallel_loop3A_530 : vector<1x16xf32> to vector<16xf32>
        %parallel_loop3A_532 = vector.shape_cast %parallel_loop3A_527 : vector<16xf32> to vector<1x16xf32>
        tpu.vector_store %arg12[%parallel_loop3A_528, %parallel_loop3A_529], %parallel_loop3A_532 {strides = array<i32>} : memref<8x1024xf32, #tpu.memory_space<vmem>>, vector<1x16xf32>,
        %parallel_loop3A_533 = arith.index_cast %parallel_loop3A_494 : i32 to index
        %parallel_loop3A_534 = arith.index_cast %parallel_loop3A_498 : i32 to index
        %parallel_loop3A_535 = tpu.vector_load %arg15[%parallel_loop3A_533, %parallel_loop3A_534] {strides = array<i32>} : memref<8x1024xf32, #tpu.memory_space<vmem>>, vector<1x16xf32>,
        %parallel_loop3A_536 = vector.shape_cast %parallel_loop3A_535 : vector<1x16xf32> to vector<16xf32>
        %parallel_loop3A_537 = arith.addf %parallel_loop3A_536, %parallel_loop3A_502 : vector<16xf32>
        %parallel_loop3A_538 = arith.index_cast %parallel_loop3A_494 : i32 to index
        %parallel_loop3A_539 = arith.index_cast %parallel_loop3A_498 : i32 to index
        %parallel_loop3A_540 = tpu.vector_load %arg15[%parallel_loop3A_538, %parallel_loop3A_539] {strides = array<i32>} : memref<8x1024xf32, #tpu.memory_space<vmem>>, vector<1x16xf32>,
        %parallel_loop3A_541 = vector.shape_cast %parallel_loop3A_540 : vector<1x16xf32> to vector<16xf32>
        %parallel_loop3A_542 = vector.shape_cast %parallel_loop3A_537 : vector<16xf32> to vector<1x16xf32>
        tpu.vector_store %arg15[%parallel_loop3A_538, %parallel_loop3A_539], %parallel_loop3A_542 {strides = array<i32>} : memref<8x1024xf32, #tpu.memory_space<vmem>>, vector<1x16xf32>,
      } {sc.loop_unroll_factor = 8 : i64, sc.parallel_access}
      %mul3A_375 = arith.constant 8 : i32
      %mul3A_376 = arith.muli %add3A_340, %mul3A_375 : i32
      %add3A_377 = arith.addi %mul3A_2, %mul3A_376 : i32
      %add3A_378 = arith.constant 0 : i32
      %add3A_379 = arith.addi %add3A_378, %add3A_377 : i32
      %dma_start3A_380 = arith.constant 0 : i32
      %dma_start3A_381 = tpu.memref_slice %arg4[%add3A_379, %dma_start3A_380] : memref<32768x1024xf32, #tpu.memory_space<hbm>> -> memref<8x1024xf32, #tpu.memory_space<hbm>>
      %dma_start3A_382 = arith.constant 0 : i32
      %dma_start3A_383 = tpu.memref_slice %arg4[%add3A_379, %dma_start3A_382] : memref<32768x1024xf32, #tpu.memory_space<hbm>> -> memref<8x1024xf32, #tpu.memory_space<hbm>>
      tpu.enqueue_dma source(%arg6 : memref<8x1024xf32, #tpu.memory_space<vmem>>) target(%dma_start3A_383 : memref<8x1024xf32, #tpu.memory_space<hbm>>) target_semaphore(%arg27 : memref<!tpu.dma_semaphore, #tpu.memory_space<semaphore_mem>>)
      %add3A_384 = arith.constant 8192 : i32
      %add3A_385 = arith.addi %add3A_384, %add3A_377 : i32
      %dma_start3A_386 = arith.constant 0 : i32
      %dma_start3A_387 = tpu.memref_slice %arg4[%add3A_385, %dma_start3A_386] : memref<32768x1024xf32, #tpu.memory_space<hbm>> -> memref<8x1024xf32, #tpu.memory_space<hbm>>
      %dma_start3A_388 = arith.constant 0 : i32
      %dma_start3A_389 = tpu.memref_slice %arg4[%add3A_385, %dma_start3A_388] : memref<32768x1024xf32, #tpu.memory_space<hbm>> -> memref<8x1024xf32, #tpu.memory_space<hbm>>
      tpu.enqueue_dma source(%arg9 : memref<8x1024xf32, #tpu.memory_space<vmem>>) target(%dma_start3A_389 : memref<8x1024xf32, #tpu.memory_space<hbm>>) target_semaphore(%arg27 : memref<!tpu.dma_semaphore, #tpu.memory_space<semaphore_mem>>)
      %add3A_390 = arith.constant 16384 : i32
      %add3A_391 = arith.addi %add3A_390, %add3A_377 : i32
      %dma_start3A_392 = arith.constant 0 : i32
      %dma_start3A_393 = tpu.memref_slice %arg4[%add3A_391, %dma_start3A_392] : memref<32768x1024xf32, #tpu.memory_space<hbm>> -> memref<8x1024xf32, #tpu.memory_space<hbm>>
      %dma_start3A_394 = arith.constant 0 : i32
      %dma_start3A_395 = tpu.memref_slice %arg4[%add3A_391, %dma_start3A_394] : memref<32768x1024xf32, #tpu.memory_space<hbm>> -> memref<8x1024xf32, #tpu.memory_space<hbm>>
      tpu.enqueue_dma source(%arg12 : memref<8x1024xf32, #tpu.memory_space<vmem>>) target(%dma_start3A_395 : memref<8x1024xf32, #tpu.memory_space<hbm>>) target_semaphore(%arg27 : memref<!tpu.dma_semaphore, #tpu.memory_space<semaphore_mem>>)
      %add3A_396 = arith.constant 24576 : i32
      %add3A_397 = arith.addi %add3A_396, %add3A_377 : i32
      %dma_start3A_398 = arith.constant 0 : i32
      %dma_start3A_399 = tpu.memref_slice %arg4[%add3A_397, %dma_start3A_398] : memref<32768x1024xf32, #tpu.memory_space<hbm>> -> memref<8x1024xf32, #tpu.memory_space<hbm>>
      %dma_start3A_400 = arith.constant 0 : i32
      %dma_start3A_401 = tpu.memref_slice %arg4[%add3A_397, %dma_start3A_400] : memref<32768x1024xf32, #tpu.memory_space<hbm>> -> memref<8x1024xf32, #tpu.memory_space<hbm>>
      tpu.enqueue_dma source(%arg15 : memref<8x1024xf32, #tpu.memory_space<vmem>>) target(%dma_start3A_401 : memref<8x1024xf32, #tpu.memory_space<hbm>>) target_semaphore(%arg27 : memref<!tpu.dma_semaphore, #tpu.memory_space<semaphore_mem>>)
      %ge3A_402 = arith.constant 1 : i32
      %ge3A_403 = arith.cmpi sge, %add3A_340, %ge3A_402 : i32
      %convert_element_type3A_404 = arith.extui %ge3A_403 : i1 to i32
      %cond3A_405 = arith.constant 0 : i32
      %cond3A_406 = arith.cmpi ne, %convert_element_type3A_404, %cond3A_405 : i32
      scf.if %cond3A_406 {
        %sub3A = arith.constant 1 : i32
        %sub3A_492 = arith.subi %add3A_340, %sub3A : i32
        %mul3A_493 = arith.constant 8 : i32
        %mul3A_494 = arith.muli %sub3A_492, %mul3A_493 : i32
        %add3A_495 = arith.addi %mul3A_2, %mul3A_494 : i32
        %add3A_496 = arith.constant 0 : i32
        %add3A_497 = arith.addi %add3A_496, %add3A_495 : i32
        %dma_wait3A_498 = arith.constant 0 : i32
        %dma_wait3A_499 = tpu.memref_slice %arg4[%add3A_497, %dma_wait3A_498] : memref<32768x1024xf32, #tpu.memory_space<hbm>> -> memref<8x1024xf32, #tpu.memory_space<hbm>>
        %dma_wait3A_500 = arith.constant 0 : i32
        %dma_wait3A_501 = tpu.memref_slice %arg4[%add3A_497, %dma_wait3A_500] : memref<32768x1024xf32, #tpu.memory_space<hbm>> -> memref<8x1024xf32, #tpu.memory_space<hbm>>
        tpu.wait_dma2 semaphore(%arg26 : memref<!tpu.dma_semaphore, #tpu.memory_space<semaphore_mem>>) src(%arg5 : memref<8x1024xf32, #tpu.memory_space<vmem>>) dst(%dma_wait3A_501 : memref<8x1024xf32, #tpu.memory_space<hbm>>)
        %add3A_502 = arith.constant 8192 : i32
        %add3A_503 = arith.addi %add3A_502, %add3A_495 : i32
        %dma_wait3A_504 = arith.constant 0 : i32
        %dma_wait3A_505 = tpu.memref_slice %arg4[%add3A_503, %dma_wait3A_504] : memref<32768x1024xf32, #tpu.memory_space<hbm>> -> memref<8x1024xf32, #tpu.memory_space<hbm>>
        %dma_wait3A_506 = arith.constant 0 : i32
        %dma_wait3A_507 = tpu.memref_slice %arg4[%add3A_503, %dma_wait3A_506] : memref<32768x1024xf32, #tpu.memory_space<hbm>> -> memref<8x1024xf32, #tpu.memory_space<hbm>>
        tpu.wait_dma2 semaphore(%arg26 : memref<!tpu.dma_semaphore, #tpu.memory_space<semaphore_mem>>) src(%arg8 : memref<8x1024xf32, #tpu.memory_space<vmem>>) dst(%dma_wait3A_507 : memref<8x1024xf32, #tpu.memory_space<hbm>>)
        %add3A_508 = arith.constant 16384 : i32
        %add3A_509 = arith.addi %add3A_508, %add3A_495 : i32
        %dma_wait3A_510 = arith.constant 0 : i32
        %dma_wait3A_511 = tpu.memref_slice %arg4[%add3A_509, %dma_wait3A_510] : memref<32768x1024xf32, #tpu.memory_space<hbm>> -> memref<8x1024xf32, #tpu.memory_space<hbm>>
        %dma_wait3A_512 = arith.constant 0 : i32
        %dma_wait3A_513 = tpu.memref_slice %arg4[%add3A_509, %dma_wait3A_512] : memref<32768x1024xf32, #tpu.memory_space<hbm>> -> memref<8x1024xf32, #tpu.memory_space<hbm>>
        tpu.wait_dma2 semaphore(%arg26 : memref<!tpu.dma_semaphore, #tpu.memory_space<semaphore_mem>>) src(%arg11 : memref<8x1024xf32, #tpu.memory_space<vmem>>) dst(%dma_wait3A_513 : memref<8x1024xf32, #tpu.memory_space<hbm>>)
        %add3A_514 = arith.constant 24576 : i32
        %add3A_515 = arith.addi %add3A_514, %add3A_495 : i32
        %dma_wait3A_516 = arith.constant 0 : i32
        %dma_wait3A_517 = tpu.memref_slice %arg4[%add3A_515, %dma_wait3A_516] : memref<32768x1024xf32, #tpu.memory_space<hbm>> -> memref<8x1024xf32, #tpu.memory_space<hbm>>
        %dma_wait3A_518 = arith.constant 0 : i32
        %dma_wait3A_519 = tpu.memref_slice %arg4[%add3A_515, %dma_wait3A_518] : memref<32768x1024xf32, #tpu.memory_space<hbm>> -> memref<8x1024xf32, #tpu.memory_space<hbm>>
        tpu.wait_dma2 semaphore(%arg26 : memref<!tpu.dma_semaphore, #tpu.memory_space<semaphore_mem>>) src(%arg14 : memref<8x1024xf32, #tpu.memory_space<vmem>>) dst(%dma_wait3A_519 : memref<8x1024xf32, #tpu.memory_space<hbm>>)
      } else {
      }
      %add3A_407 = arith.constant 2 : i32
      %add3A_408 = arith.addi %add3A_340, %add3A_407 : i32
      %lt3A_409 = arith.constant 32 : i32
      %lt3A_410 = arith.cmpi slt, %add3A_408, %lt3A_409 : i32
      %convert_element_type3A_411 = arith.extui %lt3A_410 : i1 to i32
      %cond3A_412 = arith.constant 0 : i32
      %cond3A_413 = arith.cmpi ne, %convert_element_type3A_411, %cond3A_412 : i32
      scf.if %cond3A_413 {
        %add3A_492 = arith.constant 2 : i32
        %add3A_493 = arith.addi %add3A_340, %add3A_492 : i32
        %mul3A_494 = arith.constant 8 : i32
        %mul3A_495 = arith.muli %add3A_493, %mul3A_494 : i32
        %add3A_496 = arith.addi %mul3A_2, %mul3A_495 : i32
        %dma_start3A_497 = arith.constant 0 : i32
        %dma_start3A_498 = tpu.memref_slice %arg3[%add3A_496, %dma_start3A_497] : memref<8192x1024xf32, #tpu.memory_space<hbm>> -> memref<8x1024xf32, #tpu.memory_space<hbm>>
        %dma_start3A_499 = arith.constant 0 : i32
        %dma_start3A_500 = tpu.memref_slice %arg3[%add3A_496, %dma_start3A_499] : memref<8192x1024xf32, #tpu.memory_space<hbm>> -> memref<8x1024xf32, #tpu.memory_space<hbm>>
        tpu.enqueue_dma source(%dma_start3A_500 : memref<8x1024xf32, #tpu.memory_space<hbm>>) target(%arg17 : memref<8x1024xf32, #tpu.memory_space<vmem>>) target_semaphore(%arg23 : memref<!tpu.dma_semaphore, #tpu.memory_space<semaphore_mem>>)
        %add3A_501 = arith.constant 0 : i32
        %add3A_502 = arith.addi %add3A_501, %add3A_496 : i32
        %dma_start3A_503 = arith.constant 0 : i32
        %dma_start3A_504 = tpu.memref_slice %arg2[%add3A_502, %dma_start3A_503] : memref<32768x1024xf32, #tpu.memory_space<hbm>> -> memref<8x1024xf32, #tpu.memory_space<hbm>>
        %dma_start3A_505 = arith.constant 0 : i32
        %dma_start3A_506 = tpu.memref_slice %arg2[%add3A_502, %dma_start3A_505] : memref<32768x1024xf32, #tpu.memory_space<hbm>> -> memref<8x1024xf32, #tpu.memory_space<hbm>>
        tpu.enqueue_dma source(%dma_start3A_506 : memref<8x1024xf32, #tpu.memory_space<hbm>>) target(%arg5 : memref<8x1024xf32, #tpu.memory_space<vmem>>) target_semaphore(%arg20 : memref<!tpu.dma_semaphore, #tpu.memory_space<semaphore_mem>>)
        %add3A_507 = arith.constant 8192 : i32
        %add3A_508 = arith.addi %add3A_507, %add3A_496 : i32
        %dma_start3A_509 = arith.constant 0 : i32
        %dma_start3A_510 = tpu.memref_slice %arg2[%add3A_508, %dma_start3A_509] : memref<32768x1024xf32, #tpu.memory_space<hbm>> -> memref<8x1024xf32, #tpu.memory_space<hbm>>
        %dma_start3A_511 = arith.constant 0 : i32
        %dma_start3A_512 = tpu.memref_slice %arg2[%add3A_508, %dma_start3A_511] : memref<32768x1024xf32, #tpu.memory_space<hbm>> -> memref<8x1024xf32, #tpu.memory_space<hbm>>
        tpu.enqueue_dma source(%dma_start3A_512 : memref<8x1024xf32, #tpu.memory_space<hbm>>) target(%arg8 : memref<8x1024xf32, #tpu.memory_space<vmem>>) target_semaphore(%arg20 : memref<!tpu.dma_semaphore, #tpu.memory_space<semaphore_mem>>)
        %add3A_513 = arith.constant 16384 : i32
        %add3A_514 = arith.addi %add3A_513, %add3A_496 : i32
        %dma_start3A_515 = arith.constant 0 : i32
        %dma_start3A_516 = tpu.memref_slice %arg2[%add3A_514, %dma_start3A_515] : memref<32768x1024xf32, #tpu.memory_space<hbm>> -> memref<8x1024xf32, #tpu.memory_space<hbm>>
        %dma_start3A_517 = arith.constant 0 : i32
        %dma_start3A_518 = tpu.memref_slice %arg2[%add3A_514, %dma_start3A_517] : memref<32768x1024xf32, #tpu.memory_space<hbm>> -> memref<8x1024xf32, #tpu.memory_space<hbm>>
        tpu.enqueue_dma source(%dma_start3A_518 : memref<8x1024xf32, #tpu.memory_space<hbm>>) target(%arg11 : memref<8x1024xf32, #tpu.memory_space<vmem>>) target_semaphore(%arg20 : memref<!tpu.dma_semaphore, #tpu.memory_space<semaphore_mem>>)
        %add3A_519 = arith.constant 24576 : i32
        %add3A_520 = arith.addi %add3A_519, %add3A_496 : i32
        %dma_start3A_521 = arith.constant 0 : i32
        %dma_start3A_522 = tpu.memref_slice %arg2[%add3A_520, %dma_start3A_521] : memref<32768x1024xf32, #tpu.memory_space<hbm>> -> memref<8x1024xf32, #tpu.memory_space<hbm>>
        %dma_start3A_523 = arith.constant 0 : i32
        %dma_start3A_524 = tpu.memref_slice %arg2[%add3A_520, %dma_start3A_523] : memref<32768x1024xf32, #tpu.memory_space<hbm>> -> memref<8x1024xf32, #tpu.memory_space<hbm>>
        tpu.enqueue_dma source(%dma_start3A_524 : memref<8x1024xf32, #tpu.memory_space<hbm>>) target(%arg14 : memref<8x1024xf32, #tpu.memory_space<vmem>>) target_semaphore(%arg20 : memref<!tpu.dma_semaphore, #tpu.memory_space<semaphore_mem>>)
      } else {
      }
      %mul3A_414 = arith.constant 3 : i32
      %mul3A_415 = arith.muli %scan3A_262, %mul3A_414 : i32
      %add3A_416 = arith.constant 2 : i32
      %add3A_417 = arith.addi %mul3A_415, %add3A_416 : i32
      %mul3A_418 = arith.constant 8 : i32
      %mul3A_419 = arith.muli %add3A_417, %mul3A_418 : i32
      %add3A_420 = arith.addi %mul3A_2, %mul3A_419 : i32
      %dma_wait3A_421 = arith.constant 0 : i32
      %dma_wait3A_422 = tpu.memref_slice %arg3[%add3A_420, %dma_wait3A_421] : memref<8192x1024xf32, #tpu.memory_space<hbm>> -> memref<8x1024xf32, #tpu.memory_space<hbm>>
      %dma_wait3A_423 = arith.constant 0 : i32
      %dma_wait3A_424 = tpu.memref_slice %arg3[%add3A_420, %dma_wait3A_423] : memref<8192x1024xf32, #tpu.memory_space<hbm>> -> memref<8x1024xf32, #tpu.memory_space<hbm>>
      tpu.wait_dma2 semaphore(%arg25 : memref<!tpu.dma_semaphore, #tpu.memory_space<semaphore_mem>>) src(%dma_wait3A_424 : memref<8x1024xf32, #tpu.memory_space<hbm>>) dst(%arg19 : memref<8x1024xf32, #tpu.memory_space<vmem>>)
      %add3A_425 = arith.constant 0 : i32
      %add3A_426 = arith.addi %add3A_425, %add3A_420 : i32
      %dma_wait3A_427 = arith.constant 0 : i32
      %dma_wait3A_428 = tpu.memref_slice %arg2[%add3A_426, %dma_wait3A_427] : memref<32768x1024xf32, #tpu.memory_space<hbm>> -> memref<8x1024xf32, #tpu.memory_space<hbm>>
      %dma_wait3A_429 = arith.constant 0 : i32
      %dma_wait3A_430 = tpu.memref_slice %arg2[%add3A_426, %dma_wait3A_429] : memref<32768x1024xf32, #tpu.memory_space<hbm>> -> memref<8x1024xf32, #tpu.memory_space<hbm>>
      tpu.wait_dma2 semaphore(%arg22 : memref<!tpu.dma_semaphore, #tpu.memory_space<semaphore_mem>>) src(%dma_wait3A_430 : memref<8x1024xf32, #tpu.memory_space<hbm>>) dst(%arg7 : memref<8x1024xf32, #tpu.memory_space<vmem>>)
      %add3A_431 = arith.constant 8192 : i32
      %add3A_432 = arith.addi %add3A_431, %add3A_420 : i32
      %dma_wait3A_433 = arith.constant 0 : i32
      %dma_wait3A_434 = tpu.memref_slice %arg2[%add3A_432, %dma_wait3A_433] : memref<32768x1024xf32, #tpu.memory_space<hbm>> -> memref<8x1024xf32, #tpu.memory_space<hbm>>
      %dma_wait3A_435 = arith.constant 0 : i32
      %dma_wait3A_436 = tpu.memref_slice %arg2[%add3A_432, %dma_wait3A_435] : memref<32768x1024xf32, #tpu.memory_space<hbm>> -> memref<8x1024xf32, #tpu.memory_space<hbm>>
      tpu.wait_dma2 semaphore(%arg22 : memref<!tpu.dma_semaphore, #tpu.memory_space<semaphore_mem>>) src(%dma_wait3A_436 : memref<8x1024xf32, #tpu.memory_space<hbm>>) dst(%arg10 : memref<8x1024xf32, #tpu.memory_space<vmem>>)
      %add3A_437 = arith.constant 16384 : i32
      %add3A_438 = arith.addi %add3A_437, %add3A_420 : i32
      %dma_wait3A_439 = arith.constant 0 : i32
      %dma_wait3A_440 = tpu.memref_slice %arg2[%add3A_438, %dma_wait3A_439] : memref<32768x1024xf32, #tpu.memory_space<hbm>> -> memref<8x1024xf32, #tpu.memory_space<hbm>>
      %dma_wait3A_441 = arith.constant 0 : i32
      %dma_wait3A_442 = tpu.memref_slice %arg2[%add3A_438, %dma_wait3A_441] : memref<32768x1024xf32, #tpu.memory_space<hbm>> -> memref<8x1024xf32, #tpu.memory_space<hbm>>
      tpu.wait_dma2 semaphore(%arg22 : memref<!tpu.dma_semaphore, #tpu.memory_space<semaphore_mem>>) src(%dma_wait3A_442 : memref<8x1024xf32, #tpu.memory_space<hbm>>) dst(%arg13 : memref<8x1024xf32, #tpu.memory_space<vmem>>)
      %add3A_443 = arith.constant 24576 : i32
      %add3A_444 = arith.addi %add3A_443, %add3A_420 : i32
      %dma_wait3A_445 = arith.constant 0 : i32
      %dma_wait3A_446 = tpu.memref_slice %arg2[%add3A_444, %dma_wait3A_445] : memref<32768x1024xf32, #tpu.memory_space<hbm>> -> memref<8x1024xf32, #tpu.memory_space<hbm>>
      %dma_wait3A_447 = arith.constant 0 : i32
      %dma_wait3A_448 = tpu.memref_slice %arg2[%add3A_444, %dma_wait3A_447] : memref<32768x1024xf32, #tpu.memory_space<hbm>> -> memref<8x1024xf32, #tpu.memory_space<hbm>>
      tpu.wait_dma2 semaphore(%arg22 : memref<!tpu.dma_semaphore, #tpu.memory_space<semaphore_mem>>) src(%dma_wait3A_448 : memref<8x1024xf32, #tpu.memory_space<hbm>>) dst(%arg16 : memref<8x1024xf32, #tpu.memory_space<vmem>>)
      %parallel_loop3A_449 = arith.constant 0 : i32
      %parallel_loop3A_450 = arith.constant 512 : i32
      %parallel_loop3A_451 = arith.constant 1 : i32
      scf.for %parallel_loop3A_492 = %parallel_loop3A_449 to %parallel_loop3A_450 step %parallel_loop3A_451  : i32 {
        %parallel_loop3A_493 = arith.constant 6 : i32
        %parallel_loop3A_494 = arith.shrsi %parallel_loop3A_492, %parallel_loop3A_493 : i32
        %parallel_loop3A_495 = arith.constant 63 : i32
        %parallel_loop3A_496 = arith.andi %parallel_loop3A_492, %parallel_loop3A_495 : i32
        %parallel_loop3A_497 = arith.constant 16 : i32
        %parallel_loop3A_498 = arith.muli %parallel_loop3A_496, %parallel_loop3A_497 : i32
        %parallel_loop3A_499 = arith.index_cast %parallel_loop3A_494 : i32 to index
        %parallel_loop3A_500 = arith.index_cast %parallel_loop3A_498 : i32 to index
        %parallel_loop3A_501 = tpu.vector_load %arg19[%parallel_loop3A_499, %parallel_loop3A_500] {strides = array<i32>} : memref<8x1024xf32, #tpu.memory_space<vmem>>, vector<1x16xf32>,
        %parallel_loop3A_502 = vector.shape_cast %parallel_loop3A_501 : vector<1x16xf32> to vector<16xf32>
        %parallel_loop3A_503 = arith.index_cast %parallel_loop3A_494 : i32 to index
        %parallel_loop3A_504 = arith.index_cast %parallel_loop3A_498 : i32 to index
        %parallel_loop3A_505 = tpu.vector_load %arg7[%parallel_loop3A_503, %parallel_loop3A_504] {strides = array<i32>} : memref<8x1024xf32, #tpu.memory_space<vmem>>, vector<1x16xf32>,
        %parallel_loop3A_506 = vector.shape_cast %parallel_loop3A_505 : vector<1x16xf32> to vector<16xf32>
        %parallel_loop3A_507 = arith.addf %parallel_loop3A_506, %parallel_loop3A_502 : vector<16xf32>
        %parallel_loop3A_508 = arith.index_cast %parallel_loop3A_494 : i32 to index
        %parallel_loop3A_509 = arith.index_cast %parallel_loop3A_498 : i32 to index
        %parallel_loop3A_510 = tpu.vector_load %arg7[%parallel_loop3A_508, %parallel_loop3A_509] {strides = array<i32>} : memref<8x1024xf32, #tpu.memory_space<vmem>>, vector<1x16xf32>,
        %parallel_loop3A_511 = vector.shape_cast %parallel_loop3A_510 : vector<1x16xf32> to vector<16xf32>
        %parallel_loop3A_512 = vector.shape_cast %parallel_loop3A_507 : vector<16xf32> to vector<1x16xf32>
        tpu.vector_store %arg7[%parallel_loop3A_508, %parallel_loop3A_509], %parallel_loop3A_512 {strides = array<i32>} : memref<8x1024xf32, #tpu.memory_space<vmem>>, vector<1x16xf32>,
        %parallel_loop3A_513 = arith.index_cast %parallel_loop3A_494 : i32 to index
        %parallel_loop3A_514 = arith.index_cast %parallel_loop3A_498 : i32 to index
        %parallel_loop3A_515 = tpu.vector_load %arg10[%parallel_loop3A_513, %parallel_loop3A_514] {strides = array<i32>} : memref<8x1024xf32, #tpu.memory_space<vmem>>, vector<1x16xf32>,
        %parallel_loop3A_516 = vector.shape_cast %parallel_loop3A_515 : vector<1x16xf32> to vector<16xf32>
        %parallel_loop3A_517 = arith.addf %parallel_loop3A_516, %parallel_loop3A_502 : vector<16xf32>
        %parallel_loop3A_518 = arith.index_cast %parallel_loop3A_494 : i32 to index
        %parallel_loop3A_519 = arith.index_cast %parallel_loop3A_498 : i32 to index
        %parallel_loop3A_520 = tpu.vector_load %arg10[%parallel_loop3A_518, %parallel_loop3A_519] {strides = array<i32>} : memref<8x1024xf32, #tpu.memory_space<vmem>>, vector<1x16xf32>,
        %parallel_loop3A_521 = vector.shape_cast %parallel_loop3A_520 : vector<1x16xf32> to vector<16xf32>
        %parallel_loop3A_522 = vector.shape_cast %parallel_loop3A_517 : vector<16xf32> to vector<1x16xf32>
        tpu.vector_store %arg10[%parallel_loop3A_518, %parallel_loop3A_519], %parallel_loop3A_522 {strides = array<i32>} : memref<8x1024xf32, #tpu.memory_space<vmem>>, vector<1x16xf32>,
        %parallel_loop3A_523 = arith.index_cast %parallel_loop3A_494 : i32 to index
        %parallel_loop3A_524 = arith.index_cast %parallel_loop3A_498 : i32 to index
        %parallel_loop3A_525 = tpu.vector_load %arg13[%parallel_loop3A_523, %parallel_loop3A_524] {strides = array<i32>} : memref<8x1024xf32, #tpu.memory_space<vmem>>, vector<1x16xf32>,
        %parallel_loop3A_526 = vector.shape_cast %parallel_loop3A_525 : vector<1x16xf32> to vector<16xf32>
        %parallel_loop3A_527 = arith.addf %parallel_loop3A_526, %parallel_loop3A_502 : vector<16xf32>
        %parallel_loop3A_528 = arith.index_cast %parallel_loop3A_494 : i32 to index
        %parallel_loop3A_529 = arith.index_cast %parallel_loop3A_498 : i32 to index
        %parallel_loop3A_530 = tpu.vector_load %arg13[%parallel_loop3A_528, %parallel_loop3A_529] {strides = array<i32>} : memref<8x1024xf32, #tpu.memory_space<vmem>>, vector<1x16xf32>,
        %parallel_loop3A_531 = vector.shape_cast %parallel_loop3A_530 : vector<1x16xf32> to vector<16xf32>
        %parallel_loop3A_532 = vector.shape_cast %parallel_loop3A_527 : vector<16xf32> to vector<1x16xf32>
        tpu.vector_store %arg13[%parallel_loop3A_528, %parallel_loop3A_529], %parallel_loop3A_532 {strides = array<i32>} : memref<8x1024xf32, #tpu.memory_space<vmem>>, vector<1x16xf32>,
        %parallel_loop3A_533 = arith.index_cast %parallel_loop3A_494 : i32 to index
        %parallel_loop3A_534 = arith.index_cast %parallel_loop3A_498 : i32 to index
        %parallel_loop3A_535 = tpu.vector_load %arg16[%parallel_loop3A_533, %parallel_loop3A_534] {strides = array<i32>} : memref<8x1024xf32, #tpu.memory_space<vmem>>, vector<1x16xf32>,
        %parallel_loop3A_536 = vector.shape_cast %parallel_loop3A_535 : vector<1x16xf32> to vector<16xf32>
        %parallel_loop3A_537 = arith.addf %parallel_loop3A_536, %parallel_loop3A_502 : vector<16xf32>
        %parallel_loop3A_538 = arith.index_cast %parallel_loop3A_494 : i32 to index
        %parallel_loop3A_539 = arith.index_cast %parallel_loop3A_498 : i32 to index
        %parallel_loop3A_540 = tpu.vector_load %arg16[%parallel_loop3A_538, %parallel_loop3A_539] {strides = array<i32>} : memref<8x1024xf32, #tpu.memory_space<vmem>>, vector<1x16xf32>,
        %parallel_loop3A_541 = vector.shape_cast %parallel_loop3A_540 : vector<1x16xf32> to vector<16xf32>
        %parallel_loop3A_542 = vector.shape_cast %parallel_loop3A_537 : vector<16xf32> to vector<1x16xf32>
        tpu.vector_store %arg16[%parallel_loop3A_538, %parallel_loop3A_539], %parallel_loop3A_542 {strides = array<i32>} : memref<8x1024xf32, #tpu.memory_space<vmem>>, vector<1x16xf32>,
      } {sc.loop_unroll_factor = 8 : i64, sc.parallel_access}
      %mul3A_452 = arith.constant 8 : i32
      %mul3A_453 = arith.muli %add3A_417, %mul3A_452 : i32
      %add3A_454 = arith.addi %mul3A_2, %mul3A_453 : i32
      %add3A_455 = arith.constant 0 : i32
      %add3A_456 = arith.addi %add3A_455, %add3A_454 : i32
      %dma_start3A_457 = arith.constant 0 : i32
      %dma_start3A_458 = tpu.memref_slice %arg4[%add3A_456, %dma_start3A_457] : memref<32768x1024xf32, #tpu.memory_space<hbm>> -> memref<8x1024xf32, #tpu.memory_space<hbm>>
      %dma_start3A_459 = arith.constant 0 : i32
      %dma_start3A_460 = tpu.memref_slice %arg4[%add3A_456, %dma_start3A_459] : memref<32768x1024xf32, #tpu.memory_space<hbm>> -> memref<8x1024xf32, #tpu.memory_space<hbm>>
      tpu.enqueue_dma source(%arg7 : memref<8x1024xf32, #tpu.memory_space<vmem>>) target(%dma_start3A_460 : memref<8x1024xf32, #tpu.memory_space<hbm>>) target_semaphore(%arg28 : memref<!tpu.dma_semaphore, #tpu.memory_space<semaphore_mem>>)
      %add3A_461 = arith.constant 8192 : i32
      %add3A_462 = arith.addi %add3A_461, %add3A_454 : i32
      %dma_start3A_463 = arith.constant 0 : i32
      %dma_start3A_464 = tpu.memref_slice %arg4[%add3A_462, %dma_start3A_463] : memref<32768x1024xf32, #tpu.memory_space<hbm>> -> memref<8x1024xf32, #tpu.memory_space<hbm>>
      %dma_start3A_465 = arith.constant 0 : i32
      %dma_start3A_466 = tpu.memref_slice %arg4[%add3A_462, %dma_start3A_465] : memref<32768x1024xf32, #tpu.memory_space<hbm>> -> memref<8x1024xf32, #tpu.memory_space<hbm>>
      tpu.enqueue_dma source(%arg10 : memref<8x1024xf32, #tpu.memory_space<vmem>>) target(%dma_start3A_466 : memref<8x1024xf32, #tpu.memory_space<hbm>>) target_semaphore(%arg28 : memref<!tpu.dma_semaphore, #tpu.memory_space<semaphore_mem>>)
      %add3A_467 = arith.constant 16384 : i32
      %add3A_468 = arith.addi %add3A_467, %add3A_454 : i32
      %dma_start3A_469 = arith.constant 0 : i32
      %dma_start3A_470 = tpu.memref_slice %arg4[%add3A_468, %dma_start3A_469] : memref<32768x1024xf32, #tpu.memory_space<hbm>> -> memref<8x1024xf32, #tpu.memory_space<hbm>>
      %dma_start3A_471 = arith.constant 0 : i32
      %dma_start3A_472 = tpu.memref_slice %arg4[%add3A_468, %dma_start3A_471] : memref<32768x1024xf32, #tpu.memory_space<hbm>> -> memref<8x1024xf32, #tpu.memory_space<hbm>>
      tpu.enqueue_dma source(%arg13 : memref<8x1024xf32, #tpu.memory_space<vmem>>) target(%dma_start3A_472 : memref<8x1024xf32, #tpu.memory_space<hbm>>) target_semaphore(%arg28 : memref<!tpu.dma_semaphore, #tpu.memory_space<semaphore_mem>>)
      %add3A_473 = arith.constant 24576 : i32
      %add3A_474 = arith.addi %add3A_473, %add3A_454 : i32
      %dma_start3A_475 = arith.constant 0 : i32
      %dma_start3A_476 = tpu.memref_slice %arg4[%add3A_474, %dma_start3A_475] : memref<32768x1024xf32, #tpu.memory_space<hbm>> -> memref<8x1024xf32, #tpu.memory_space<hbm>>
      %dma_start3A_477 = arith.constant 0 : i32
      %dma_start3A_478 = tpu.memref_slice %arg4[%add3A_474, %dma_start3A_477] : memref<32768x1024xf32, #tpu.memory_space<hbm>> -> memref<8x1024xf32, #tpu.memory_space<hbm>>
      tpu.enqueue_dma source(%arg16 : memref<8x1024xf32, #tpu.memory_space<vmem>>) target(%dma_start3A_478 : memref<8x1024xf32, #tpu.memory_space<hbm>>) target_semaphore(%arg28 : memref<!tpu.dma_semaphore, #tpu.memory_space<semaphore_mem>>)
      %ge3A_479 = arith.constant 1 : i32
      %ge3A_480 = arith.cmpi sge, %add3A_417, %ge3A_479 : i32
      %convert_element_type3A_481 = arith.extui %ge3A_480 : i1 to i32
      %cond3A_482 = arith.constant 0 : i32
      %cond3A_483 = arith.cmpi ne, %convert_element_type3A_481, %cond3A_482 : i32
      scf.if %cond3A_483 {
        %sub3A = arith.constant 1 : i32
        %sub3A_492 = arith.subi %add3A_417, %sub3A : i32
        %mul3A_493 = arith.constant 8 : i32
        %mul3A_494 = arith.muli %sub3A_492, %mul3A_493 : i32
        %add3A_495 = arith.addi %mul3A_2, %mul3A_494 : i32
        %add3A_496 = arith.constant 0 : i32
        %add3A_497 = arith.addi %add3A_496, %add3A_495 : i32
        %dma_wait3A_498 = arith.constant 0 : i32
        %dma_wait3A_499 = tpu.memref_slice %arg4[%add3A_497, %dma_wait3A_498] : memref<32768x1024xf32, #tpu.memory_space<hbm>> -> memref<8x1024xf32, #tpu.memory_space<hbm>>
        %dma_wait3A_500 = arith.constant 0 : i32
        %dma_wait3A_501 = tpu.memref_slice %arg4[%add3A_497, %dma_wait3A_500] : memref<32768x1024xf32, #tpu.memory_space<hbm>> -> memref<8x1024xf32, #tpu.memory_space<hbm>>
        tpu.wait_dma2 semaphore(%arg27 : memref<!tpu.dma_semaphore, #tpu.memory_space<semaphore_mem>>) src(%arg6 : memref<8x1024xf32, #tpu.memory_space<vmem>>) dst(%dma_wait3A_501 : memref<8x1024xf32, #tpu.memory_space<hbm>>)
        %add3A_502 = arith.constant 8192 : i32
        %add3A_503 = arith.addi %add3A_502, %add3A_495 : i32
        %dma_wait3A_504 = arith.constant 0 : i32
        %dma_wait3A_505 = tpu.memref_slice %arg4[%add3A_503, %dma_wait3A_504] : memref<32768x1024xf32, #tpu.memory_space<hbm>> -> memref<8x1024xf32, #tpu.memory_space<hbm>>
        %dma_wait3A_506 = arith.constant 0 : i32
        %dma_wait3A_507 = tpu.memref_slice %arg4[%add3A_503, %dma_wait3A_506] : memref<32768x1024xf32, #tpu.memory_space<hbm>> -> memref<8x1024xf32, #tpu.memory_space<hbm>>
        tpu.wait_dma2 semaphore(%arg27 : memref<!tpu.dma_semaphore, #tpu.memory_space<semaphore_mem>>) src(%arg9 : memref<8x1024xf32, #tpu.memory_space<vmem>>) dst(%dma_wait3A_507 : memref<8x1024xf32, #tpu.memory_space<hbm>>)
        %add3A_508 = arith.constant 16384 : i32
        %add3A_509 = arith.addi %add3A_508, %add3A_495 : i32
        %dma_wait3A_510 = arith.constant 0 : i32
        %dma_wait3A_511 = tpu.memref_slice %arg4[%add3A_509, %dma_wait3A_510] : memref<32768x1024xf32, #tpu.memory_space<hbm>> -> memref<8x1024xf32, #tpu.memory_space<hbm>>
        %dma_wait3A_512 = arith.constant 0 : i32
        %dma_wait3A_513 = tpu.memref_slice %arg4[%add3A_509, %dma_wait3A_512] : memref<32768x1024xf32, #tpu.memory_space<hbm>> -> memref<8x1024xf32, #tpu.memory_space<hbm>>
        tpu.wait_dma2 semaphore(%arg27 : memref<!tpu.dma_semaphore, #tpu.memory_space<semaphore_mem>>) src(%arg12 : memref<8x1024xf32, #tpu.memory_space<vmem>>) dst(%dma_wait3A_513 : memref<8x1024xf32, #tpu.memory_space<hbm>>)
        %add3A_514 = arith.constant 24576 : i32
        %add3A_515 = arith.addi %add3A_514, %add3A_495 : i32
        %dma_wait3A_516 = arith.constant 0 : i32
        %dma_wait3A_517 = tpu.memref_slice %arg4[%add3A_515, %dma_wait3A_516] : memref<32768x1024xf32, #tpu.memory_space<hbm>> -> memref<8x1024xf32, #tpu.memory_space<hbm>>
        %dma_wait3A_518 = arith.constant 0 : i32
        %dma_wait3A_519 = tpu.memref_slice %arg4[%add3A_515, %dma_wait3A_518] : memref<32768x1024xf32, #tpu.memory_space<hbm>> -> memref<8x1024xf32, #tpu.memory_space<hbm>>
        tpu.wait_dma2 semaphore(%arg27 : memref<!tpu.dma_semaphore, #tpu.memory_space<semaphore_mem>>) src(%arg15 : memref<8x1024xf32, #tpu.memory_space<vmem>>) dst(%dma_wait3A_519 : memref<8x1024xf32, #tpu.memory_space<hbm>>)
      } else {
      }
      %add3A_484 = arith.constant 2 : i32
      %add3A_485 = arith.addi %add3A_417, %add3A_484 : i32
      %lt3A_486 = arith.constant 32 : i32
      %lt3A_487 = arith.cmpi slt, %add3A_485, %lt3A_486 : i32
      %convert_element_type3A_488 = arith.extui %lt3A_487 : i1 to i32
      %cond3A_489 = arith.constant 0 : i32
      %cond3A_490 = arith.cmpi ne, %convert_element_type3A_488, %cond3A_489 : i32
      scf.if %cond3A_490 {
        %add3A_492 = arith.constant 2 : i32
        %add3A_493 = arith.addi %add3A_417, %add3A_492 : i32
        %mul3A_494 = arith.constant 8 : i32
        %mul3A_495 = arith.muli %add3A_493, %mul3A_494 : i32
        %add3A_496 = arith.addi %mul3A_2, %mul3A_495 : i32
        %dma_start3A_497 = arith.constant 0 : i32
        %dma_start3A_498 = tpu.memref_slice %arg3[%add3A_496, %dma_start3A_497] : memref<8192x1024xf32, #tpu.memory_space<hbm>> -> memref<8x1024xf32, #tpu.memory_space<hbm>>
        %dma_start3A_499 = arith.constant 0 : i32
        %dma_start3A_500 = tpu.memref_slice %arg3[%add3A_496, %dma_start3A_499] : memref<8192x1024xf32, #tpu.memory_space<hbm>> -> memref<8x1024xf32, #tpu.memory_space<hbm>>
        tpu.enqueue_dma source(%dma_start3A_500 : memref<8x1024xf32, #tpu.memory_space<hbm>>) target(%arg18 : memref<8x1024xf32, #tpu.memory_space<vmem>>) target_semaphore(%arg24 : memref<!tpu.dma_semaphore, #tpu.memory_space<semaphore_mem>>)
        %add3A_501 = arith.constant 0 : i32
        %add3A_502 = arith.addi %add3A_501, %add3A_496 : i32
        %dma_start3A_503 = arith.constant 0 : i32
        %dma_start3A_504 = tpu.memref_slice %arg2[%add3A_502, %dma_start3A_503] : memref<32768x1024xf32, #tpu.memory_space<hbm>> -> memref<8x1024xf32, #tpu.memory_space<hbm>>
        %dma_start3A_505 = arith.constant 0 : i32
        %dma_start3A_506 = tpu.memref_slice %arg2[%add3A_502, %dma_start3A_505] : memref<32768x1024xf32, #tpu.memory_space<hbm>> -> memref<8x1024xf32, #tpu.memory_space<hbm>>
        tpu.enqueue_dma source(%dma_start3A_506 : memref<8x1024xf32, #tpu.memory_space<hbm>>) target(%arg6 : memref<8x1024xf32, #tpu.memory_space<vmem>>) target_semaphore(%arg21 : memref<!tpu.dma_semaphore, #tpu.memory_space<semaphore_mem>>)
        %add3A_507 = arith.constant 8192 : i32
        %add3A_508 = arith.addi %add3A_507, %add3A_496 : i32
        %dma_start3A_509 = arith.constant 0 : i32
        %dma_start3A_510 = tpu.memref_slice %arg2[%add3A_508, %dma_start3A_509] : memref<32768x1024xf32, #tpu.memory_space<hbm>> -> memref<8x1024xf32, #tpu.memory_space<hbm>>
        %dma_start3A_511 = arith.constant 0 : i32
        %dma_start3A_512 = tpu.memref_slice %arg2[%add3A_508, %dma_start3A_511] : memref<32768x1024xf32, #tpu.memory_space<hbm>> -> memref<8x1024xf32, #tpu.memory_space<hbm>>
        tpu.enqueue_dma source(%dma_start3A_512 : memref<8x1024xf32, #tpu.memory_space<hbm>>) target(%arg9 : memref<8x1024xf32, #tpu.memory_space<vmem>>) target_semaphore(%arg21 : memref<!tpu.dma_semaphore, #tpu.memory_space<semaphore_mem>>)
        %add3A_513 = arith.constant 16384 : i32
        %add3A_514 = arith.addi %add3A_513, %add3A_496 : i32
        %dma_start3A_515 = arith.constant 0 : i32
        %dma_start3A_516 = tpu.memref_slice %arg2[%add3A_514, %dma_start3A_515] : memref<32768x1024xf32, #tpu.memory_space<hbm>> -> memref<8x1024xf32, #tpu.memory_space<hbm>>
        %dma_start3A_517 = arith.constant 0 : i32
        %dma_start3A_518 = tpu.memref_slice %arg2[%add3A_514, %dma_start3A_517] : memref<32768x1024xf32, #tpu.memory_space<hbm>> -> memref<8x1024xf32, #tpu.memory_space<hbm>>
        tpu.enqueue_dma source(%dma_start3A_518 : memref<8x1024xf32, #tpu.memory_space<hbm>>) target(%arg12 : memref<8x1024xf32, #tpu.memory_space<vmem>>) target_semaphore(%arg21 : memref<!tpu.dma_semaphore, #tpu.memory_space<semaphore_mem>>)
        %add3A_519 = arith.constant 24576 : i32
        %add3A_520 = arith.addi %add3A_519, %add3A_496 : i32
        %dma_start3A_521 = arith.constant 0 : i32
        %dma_start3A_522 = tpu.memref_slice %arg2[%add3A_520, %dma_start3A_521] : memref<32768x1024xf32, #tpu.memory_space<hbm>> -> memref<8x1024xf32, #tpu.memory_space<hbm>>
        %dma_start3A_523 = arith.constant 0 : i32
        %dma_start3A_524 = tpu.memref_slice %arg2[%add3A_520, %dma_start3A_523] : memref<32768x1024xf32, #tpu.memory_space<hbm>> -> memref<8x1024xf32, #tpu.memory_space<hbm>>
        tpu.enqueue_dma source(%dma_start3A_524 : memref<8x1024xf32, #tpu.memory_space<hbm>>) target(%arg15 : memref<8x1024xf32, #tpu.memory_space<vmem>>) target_semaphore(%arg21 : memref<!tpu.dma_semaphore, #tpu.memory_space<semaphore_mem>>)
      } else {
      }
      %scan3A_491 = arith.constant 0 : i32
      scf.yield %scan3A_491 : i32
    }
    %scan3A_67 = arith.constant 10 : i32
    %add3A_68 = arith.constant 240 : i32
    %add3A_69 = arith.addi %mul3A_2, %add3A_68 : i32
    %dma_wait3A = arith.constant 0 : i32
    %dma_wait3A_70 = tpu.memref_slice %arg3[%add3A_69, %dma_wait3A] : memref<8192x1024xf32, #tpu.memory_space<hbm>> -> memref<8x1024xf32, #tpu.memory_space<hbm>>
    %dma_wait3A_71 = arith.constant 0 : i32
    %dma_wait3A_72 = tpu.memref_slice %arg3[%add3A_69, %dma_wait3A_71] : memref<8192x1024xf32, #tpu.memory_space<hbm>> -> memref<8x1024xf32, #tpu.memory_space<hbm>>
    tpu.wait_dma2 semaphore(%arg23 : memref<!tpu.dma_semaphore, #tpu.memory_space<semaphore_mem>>) src(%dma_wait3A_72 : memref<8x1024xf32, #tpu.memory_space<hbm>>) dst(%arg17 : memref<8x1024xf32, #tpu.memory_space<vmem>>)
    %add3A_73 = arith.constant 0 : i32
    %add3A_74 = arith.addi %add3A_73, %add3A_69 : i32
    %dma_wait3A_75 = arith.constant 0 : i32
    %dma_wait3A_76 = tpu.memref_slice %arg2[%add3A_74, %dma_wait3A_75] : memref<32768x1024xf32, #tpu.memory_space<hbm>> -> memref<8x1024xf32, #tpu.memory_space<hbm>>
    %dma_wait3A_77 = arith.constant 0 : i32
    %dma_wait3A_78 = tpu.memref_slice %arg2[%add3A_74, %dma_wait3A_77] : memref<32768x1024xf32, #tpu.memory_space<hbm>> -> memref<8x1024xf32, #tpu.memory_space<hbm>>
    tpu.wait_dma2 semaphore(%arg20 : memref<!tpu.dma_semaphore, #tpu.memory_space<semaphore_mem>>) src(%dma_wait3A_78 : memref<8x1024xf32, #tpu.memory_space<hbm>>) dst(%arg5 : memref<8x1024xf32, #tpu.memory_space<vmem>>)
    %add3A_79 = arith.constant 8192 : i32
    %add3A_80 = arith.addi %add3A_79, %add3A_69 : i32
    %dma_wait3A_81 = arith.constant 0 : i32
    %dma_wait3A_82 = tpu.memref_slice %arg2[%add3A_80, %dma_wait3A_81] : memref<32768x1024xf32, #tpu.memory_space<hbm>> -> memref<8x1024xf32, #tpu.memory_space<hbm>>
    %dma_wait3A_83 = arith.constant 0 : i32
    %dma_wait3A_84 = tpu.memref_slice %arg2[%add3A_80, %dma_wait3A_83] : memref<32768x1024xf32, #tpu.memory_space<hbm>> -> memref<8x1024xf32, #tpu.memory_space<hbm>>
    tpu.wait_dma2 semaphore(%arg20 : memref<!tpu.dma_semaphore, #tpu.memory_space<semaphore_mem>>) src(%dma_wait3A_84 : memref<8x1024xf32, #tpu.memory_space<hbm>>) dst(%arg8 : memref<8x1024xf32, #tpu.memory_space<vmem>>)
    %add3A_85 = arith.constant 16384 : i32
    %add3A_86 = arith.addi %add3A_85, %add3A_69 : i32
    %dma_wait3A_87 = arith.constant 0 : i32
    %dma_wait3A_88 = tpu.memref_slice %arg2[%add3A_86, %dma_wait3A_87] : memref<32768x1024xf32, #tpu.memory_space<hbm>> -> memref<8x1024xf32, #tpu.memory_space<hbm>>
    %dma_wait3A_89 = arith.constant 0 : i32
    %dma_wait3A_90 = tpu.memref_slice %arg2[%add3A_86, %dma_wait3A_89] : memref<32768x1024xf32, #tpu.memory_space<hbm>> -> memref<8x1024xf32, #tpu.memory_space<hbm>>
    tpu.wait_dma2 semaphore(%arg20 : memref<!tpu.dma_semaphore, #tpu.memory_space<semaphore_mem>>) src(%dma_wait3A_90 : memref<8x1024xf32, #tpu.memory_space<hbm>>) dst(%arg11 : memref<8x1024xf32, #tpu.memory_space<vmem>>)
    %add3A_91 = arith.constant 24576 : i32
    %add3A_92 = arith.addi %add3A_91, %add3A_69 : i32
    %dma_wait3A_93 = arith.constant 0 : i32
    %dma_wait3A_94 = tpu.memref_slice %arg2[%add3A_92, %dma_wait3A_93] : memref<32768x1024xf32, #tpu.memory_space<hbm>> -> memref<8x1024xf32, #tpu.memory_space<hbm>>
    %dma_wait3A_95 = arith.constant 0 : i32
    %dma_wait3A_96 = tpu.memref_slice %arg2[%add3A_92, %dma_wait3A_95] : memref<32768x1024xf32, #tpu.memory_space<hbm>> -> memref<8x1024xf32, #tpu.memory_space<hbm>>
    tpu.wait_dma2 semaphore(%arg20 : memref<!tpu.dma_semaphore, #tpu.memory_space<semaphore_mem>>) src(%dma_wait3A_96 : memref<8x1024xf32, #tpu.memory_space<hbm>>) dst(%arg14 : memref<8x1024xf32, #tpu.memory_space<vmem>>)
    %parallel_loop3A = arith.constant 0 : i32
    %parallel_loop3A_97 = arith.constant 512 : i32
    %parallel_loop3A_98 = arith.constant 1 : i32
    scf.for %parallel_loop3A_262 = %parallel_loop3A to %parallel_loop3A_97 step %parallel_loop3A_98  : i32 {
      %parallel_loop3A_263 = arith.constant 6 : i32
      %parallel_loop3A_264 = arith.shrsi %parallel_loop3A_262, %parallel_loop3A_263 : i32
      %parallel_loop3A_265 = arith.constant 63 : i32
      %parallel_loop3A_266 = arith.andi %parallel_loop3A_262, %parallel_loop3A_265 : i32
      %parallel_loop3A_267 = arith.constant 16 : i32
      %parallel_loop3A_268 = arith.muli %parallel_loop3A_266, %parallel_loop3A_267 : i32
      %parallel_loop3A_269 = arith.index_cast %parallel_loop3A_264 : i32 to index
      %parallel_loop3A_270 = arith.index_cast %parallel_loop3A_268 : i32 to index
      %parallel_loop3A_271 = tpu.vector_load %arg17[%parallel_loop3A_269, %parallel_loop3A_270] {strides = array<i32>} : memref<8x1024xf32, #tpu.memory_space<vmem>>, vector<1x16xf32>,
      %parallel_loop3A_272 = vector.shape_cast %parallel_loop3A_271 : vector<1x16xf32> to vector<16xf32>
      %parallel_loop3A_273 = arith.index_cast %parallel_loop3A_264 : i32 to index
      %parallel_loop3A_274 = arith.index_cast %parallel_loop3A_268 : i32 to index
      %parallel_loop3A_275 = tpu.vector_load %arg5[%parallel_loop3A_273, %parallel_loop3A_274] {strides = array<i32>} : memref<8x1024xf32, #tpu.memory_space<vmem>>, vector<1x16xf32>,
      %parallel_loop3A_276 = vector.shape_cast %parallel_loop3A_275 : vector<1x16xf32> to vector<16xf32>
      %parallel_loop3A_277 = arith.addf %parallel_loop3A_276, %parallel_loop3A_272 : vector<16xf32>
      %parallel_loop3A_278 = arith.index_cast %parallel_loop3A_264 : i32 to index
      %parallel_loop3A_279 = arith.index_cast %parallel_loop3A_268 : i32 to index
      %parallel_loop3A_280 = tpu.vector_load %arg5[%parallel_loop3A_278, %parallel_loop3A_279] {strides = array<i32>} : memref<8x1024xf32, #tpu.memory_space<vmem>>, vector<1x16xf32>,
      %parallel_loop3A_281 = vector.shape_cast %parallel_loop3A_280 : vector<1x16xf32> to vector<16xf32>
      %parallel_loop3A_282 = vector.shape_cast %parallel_loop3A_277 : vector<16xf32> to vector<1x16xf32>
      tpu.vector_store %arg5[%parallel_loop3A_278, %parallel_loop3A_279], %parallel_loop3A_282 {strides = array<i32>} : memref<8x1024xf32, #tpu.memory_space<vmem>>, vector<1x16xf32>,
      %parallel_loop3A_283 = arith.index_cast %parallel_loop3A_264 : i32 to index
      %parallel_loop3A_284 = arith.index_cast %parallel_loop3A_268 : i32 to index
      %parallel_loop3A_285 = tpu.vector_load %arg8[%parallel_loop3A_283, %parallel_loop3A_284] {strides = array<i32>} : memref<8x1024xf32, #tpu.memory_space<vmem>>, vector<1x16xf32>,
      %parallel_loop3A_286 = vector.shape_cast %parallel_loop3A_285 : vector<1x16xf32> to vector<16xf32>
      %parallel_loop3A_287 = arith.addf %parallel_loop3A_286, %parallel_loop3A_272 : vector<16xf32>
      %parallel_loop3A_288 = arith.index_cast %parallel_loop3A_264 : i32 to index
      %parallel_loop3A_289 = arith.index_cast %parallel_loop3A_268 : i32 to index
      %parallel_loop3A_290 = tpu.vector_load %arg8[%parallel_loop3A_288, %parallel_loop3A_289] {strides = array<i32>} : memref<8x1024xf32, #tpu.memory_space<vmem>>, vector<1x16xf32>,
      %parallel_loop3A_291 = vector.shape_cast %parallel_loop3A_290 : vector<1x16xf32> to vector<16xf32>
      %parallel_loop3A_292 = vector.shape_cast %parallel_loop3A_287 : vector<16xf32> to vector<1x16xf32>
      tpu.vector_store %arg8[%parallel_loop3A_288, %parallel_loop3A_289], %parallel_loop3A_292 {strides = array<i32>} : memref<8x1024xf32, #tpu.memory_space<vmem>>, vector<1x16xf32>,
      %parallel_loop3A_293 = arith.index_cast %parallel_loop3A_264 : i32 to index
      %parallel_loop3A_294 = arith.index_cast %parallel_loop3A_268 : i32 to index
      %parallel_loop3A_295 = tpu.vector_load %arg11[%parallel_loop3A_293, %parallel_loop3A_294] {strides = array<i32>} : memref<8x1024xf32, #tpu.memory_space<vmem>>, vector<1x16xf32>,
      %parallel_loop3A_296 = vector.shape_cast %parallel_loop3A_295 : vector<1x16xf32> to vector<16xf32>
      %parallel_loop3A_297 = arith.addf %parallel_loop3A_296, %parallel_loop3A_272 : vector<16xf32>
      %parallel_loop3A_298 = arith.index_cast %parallel_loop3A_264 : i32 to index
      %parallel_loop3A_299 = arith.index_cast %parallel_loop3A_268 : i32 to index
      %parallel_loop3A_300 = tpu.vector_load %arg11[%parallel_loop3A_298, %parallel_loop3A_299] {strides = array<i32>} : memref<8x1024xf32, #tpu.memory_space<vmem>>, vector<1x16xf32>,
      %parallel_loop3A_301 = vector.shape_cast %parallel_loop3A_300 : vector<1x16xf32> to vector<16xf32>
      %parallel_loop3A_302 = vector.shape_cast %parallel_loop3A_297 : vector<16xf32> to vector<1x16xf32>
      tpu.vector_store %arg11[%parallel_loop3A_298, %parallel_loop3A_299], %parallel_loop3A_302 {strides = array<i32>} : memref<8x1024xf32, #tpu.memory_space<vmem>>, vector<1x16xf32>,
      %parallel_loop3A_303 = arith.index_cast %parallel_loop3A_264 : i32 to index
      %parallel_loop3A_304 = arith.index_cast %parallel_loop3A_268 : i32 to index
      %parallel_loop3A_305 = tpu.vector_load %arg14[%parallel_loop3A_303, %parallel_loop3A_304] {strides = array<i32>} : memref<8x1024xf32, #tpu.memory_space<vmem>>, vector<1x16xf32>,
      %parallel_loop3A_306 = vector.shape_cast %parallel_loop3A_305 : vector<1x16xf32> to vector<16xf32>
      %parallel_loop3A_307 = arith.addf %parallel_loop3A_306, %parallel_loop3A_272 : vector<16xf32>
      %parallel_loop3A_308 = arith.index_cast %parallel_loop3A_264 : i32 to index
      %parallel_loop3A_309 = arith.index_cast %parallel_loop3A_268 : i32 to index
      %parallel_loop3A_310 = tpu.vector_load %arg14[%parallel_loop3A_308, %parallel_loop3A_309] {strides = array<i32>} : memref<8x1024xf32, #tpu.memory_space<vmem>>, vector<1x16xf32>,
      %parallel_loop3A_311 = vector.shape_cast %parallel_loop3A_310 : vector<1x16xf32> to vector<16xf32>
      %parallel_loop3A_312 = vector.shape_cast %parallel_loop3A_307 : vector<16xf32> to vector<1x16xf32>
      tpu.vector_store %arg14[%parallel_loop3A_308, %parallel_loop3A_309], %parallel_loop3A_312 {strides = array<i32>} : memref<8x1024xf32, #tpu.memory_space<vmem>>, vector<1x16xf32>,
    } {sc.loop_unroll_factor = 8 : i64, sc.parallel_access}
    %add3A_99 = arith.constant 240 : i32
    %add3A_100 = arith.addi %mul3A_2, %add3A_99 : i32
    %add3A_101 = arith.constant 0 : i32
    %add3A_102 = arith.addi %add3A_101, %add3A_100 : i32
    %dma_start3A_103 = arith.constant 0 : i32
    %dma_start3A_104 = tpu.memref_slice %arg4[%add3A_102, %dma_start3A_103] : memref<32768x1024xf32, #tpu.memory_space<hbm>> -> memref<8x1024xf32, #tpu.memory_space<hbm>>
    %dma_start3A_105 = arith.constant 0 : i32
    %dma_start3A_106 = tpu.memref_slice %arg4[%add3A_102, %dma_start3A_105] : memref<32768x1024xf32, #tpu.memory_space<hbm>> -> memref<8x1024xf32, #tpu.memory_space<hbm>>
    tpu.enqueue_dma source(%arg5 : memref<8x1024xf32, #tpu.memory_space<vmem>>) target(%dma_start3A_106 : memref<8x1024xf32, #tpu.memory_space<hbm>>) target_semaphore(%arg26 : memref<!tpu.dma_semaphore, #tpu.memory_space<semaphore_mem>>)
    %add3A_107 = arith.constant 8192 : i32
    %add3A_108 = arith.addi %add3A_107, %add3A_100 : i32
    %dma_start3A_109 = arith.constant 0 : i32
    %dma_start3A_110 = tpu.memref_slice %arg4[%add3A_108, %dma_start3A_109] : memref<32768x1024xf32, #tpu.memory_space<hbm>> -> memref<8x1024xf32, #tpu.memory_space<hbm>>
    %dma_start3A_111 = arith.constant 0 : i32
    %dma_start3A_112 = tpu.memref_slice %arg4[%add3A_108, %dma_start3A_111] : memref<32768x1024xf32, #tpu.memory_space<hbm>> -> memref<8x1024xf32, #tpu.memory_space<hbm>>
    tpu.enqueue_dma source(%arg8 : memref<8x1024xf32, #tpu.memory_space<vmem>>) target(%dma_start3A_112 : memref<8x1024xf32, #tpu.memory_space<hbm>>) target_semaphore(%arg26 : memref<!tpu.dma_semaphore, #tpu.memory_space<semaphore_mem>>)
    %add3A_113 = arith.constant 16384 : i32
    %add3A_114 = arith.addi %add3A_113, %add3A_100 : i32
    %dma_start3A_115 = arith.constant 0 : i32
    %dma_start3A_116 = tpu.memref_slice %arg4[%add3A_114, %dma_start3A_115] : memref<32768x1024xf32, #tpu.memory_space<hbm>> -> memref<8x1024xf32, #tpu.memory_space<hbm>>
    %dma_start3A_117 = arith.constant 0 : i32
    %dma_start3A_118 = tpu.memref_slice %arg4[%add3A_114, %dma_start3A_117] : memref<32768x1024xf32, #tpu.memory_space<hbm>> -> memref<8x1024xf32, #tpu.memory_space<hbm>>
    tpu.enqueue_dma source(%arg11 : memref<8x1024xf32, #tpu.memory_space<vmem>>) target(%dma_start3A_118 : memref<8x1024xf32, #tpu.memory_space<hbm>>) target_semaphore(%arg26 : memref<!tpu.dma_semaphore, #tpu.memory_space<semaphore_mem>>)
    %add3A_119 = arith.constant 24576 : i32
    %add3A_120 = arith.addi %add3A_119, %add3A_100 : i32
    %dma_start3A_121 = arith.constant 0 : i32
    %dma_start3A_122 = tpu.memref_slice %arg4[%add3A_120, %dma_start3A_121] : memref<32768x1024xf32, #tpu.memory_space<hbm>> -> memref<8x1024xf32, #tpu.memory_space<hbm>>
    %dma_start3A_123 = arith.constant 0 : i32
    %dma_start3A_124 = tpu.memref_slice %arg4[%add3A_120, %dma_start3A_123] : memref<32768x1024xf32, #tpu.memory_space<hbm>> -> memref<8x1024xf32, #tpu.memory_space<hbm>>
    tpu.enqueue_dma source(%arg14 : memref<8x1024xf32, #tpu.memory_space<vmem>>) target(%dma_start3A_124 : memref<8x1024xf32, #tpu.memory_space<hbm>>) target_semaphore(%arg26 : memref<!tpu.dma_semaphore, #tpu.memory_space<semaphore_mem>>)
    %add3A_125 = arith.constant 232 : i32
    %add3A_126 = arith.addi %mul3A_2, %add3A_125 : i32
    %add3A_127 = arith.constant 0 : i32
    %add3A_128 = arith.addi %add3A_127, %add3A_126 : i32
    %dma_wait3A_129 = arith.constant 0 : i32
    %dma_wait3A_130 = tpu.memref_slice %arg4[%add3A_128, %dma_wait3A_129] : memref<32768x1024xf32, #tpu.memory_space<hbm>> -> memref<8x1024xf32, #tpu.memory_space<hbm>>
    %dma_wait3A_131 = arith.constant 0 : i32
    %dma_wait3A_132 = tpu.memref_slice %arg4[%add3A_128, %dma_wait3A_131] : memref<32768x1024xf32, #tpu.memory_space<hbm>> -> memref<8x1024xf32, #tpu.memory_space<hbm>>
    tpu.wait_dma2 semaphore(%arg28 : memref<!tpu.dma_semaphore, #tpu.memory_space<semaphore_mem>>) src(%arg7 : memref<8x1024xf32, #tpu.memory_space<vmem>>) dst(%dma_wait3A_132 : memref<8x1024xf32, #tpu.memory_space<hbm>>)
    %add3A_133 = arith.constant 8192 : i32
    %add3A_134 = arith.addi %add3A_133, %add3A_126 : i32
    %dma_wait3A_135 = arith.constant 0 : i32
    %dma_wait3A_136 = tpu.memref_slice %arg4[%add3A_134, %dma_wait3A_135] : memref<32768x1024xf32, #tpu.memory_space<hbm>> -> memref<8x1024xf32, #tpu.memory_space<hbm>>
    %dma_wait3A_137 = arith.constant 0 : i32
    %dma_wait3A_138 = tpu.memref_slice %arg4[%add3A_134, %dma_wait3A_137] : memref<32768x1024xf32, #tpu.memory_space<hbm>> -> memref<8x1024xf32, #tpu.memory_space<hbm>>
    tpu.wait_dma2 semaphore(%arg28 : memref<!tpu.dma_semaphore, #tpu.memory_space<semaphore_mem>>) src(%arg10 : memref<8x1024xf32, #tpu.memory_space<vmem>>) dst(%dma_wait3A_138 : memref<8x1024xf32, #tpu.memory_space<hbm>>)
    %add3A_139 = arith.constant 16384 : i32
    %add3A_140 = arith.addi %add3A_139, %add3A_126 : i32
    %dma_wait3A_141 = arith.constant 0 : i32
    %dma_wait3A_142 = tpu.memref_slice %arg4[%add3A_140, %dma_wait3A_141] : memref<32768x1024xf32, #tpu.memory_space<hbm>> -> memref<8x1024xf32, #tpu.memory_space<hbm>>
    %dma_wait3A_143 = arith.constant 0 : i32
    %dma_wait3A_144 = tpu.memref_slice %arg4[%add3A_140, %dma_wait3A_143] : memref<32768x1024xf32, #tpu.memory_space<hbm>> -> memref<8x1024xf32, #tpu.memory_space<hbm>>
    tpu.wait_dma2 semaphore(%arg28 : memref<!tpu.dma_semaphore, #tpu.memory_space<semaphore_mem>>) src(%arg13 : memref<8x1024xf32, #tpu.memory_space<vmem>>) dst(%dma_wait3A_144 : memref<8x1024xf32, #tpu.memory_space<hbm>>)
    %add3A_145 = arith.constant 24576 : i32
    %add3A_146 = arith.addi %add3A_145, %add3A_126 : i32
    %dma_wait3A_147 = arith.constant 0 : i32
    %dma_wait3A_148 = tpu.memref_slice %arg4[%add3A_146, %dma_wait3A_147] : memref<32768x1024xf32, #tpu.memory_space<hbm>> -> memref<8x1024xf32, #tpu.memory_space<hbm>>
    %dma_wait3A_149 = arith.constant 0 : i32
    %dma_wait3A_150 = tpu.memref_slice %arg4[%add3A_146, %dma_wait3A_149] : memref<32768x1024xf32, #tpu.memory_space<hbm>> -> memref<8x1024xf32, #tpu.memory_space<hbm>>
    tpu.wait_dma2 semaphore(%arg28 : memref<!tpu.dma_semaphore, #tpu.memory_space<semaphore_mem>>) src(%arg16 : memref<8x1024xf32, #tpu.memory_space<vmem>>) dst(%dma_wait3A_150 : memref<8x1024xf32, #tpu.memory_space<hbm>>)
    %add3A_151 = arith.constant 248 : i32
    %add3A_152 = arith.addi %mul3A_2, %add3A_151 : i32
    %dma_wait3A_153 = arith.constant 0 : i32
    %dma_wait3A_154 = tpu.memref_slice %arg3[%add3A_152, %dma_wait3A_153] : memref<8192x1024xf32, #tpu.memory_space<hbm>> -> memref<8x1024xf32, #tpu.memory_space<hbm>>
    %dma_wait3A_155 = arith.constant 0 : i32
    %dma_wait3A_156 = tpu.memref_slice %arg3[%add3A_152, %dma_wait3A_155] : memref<8192x1024xf32, #tpu.memory_space<hbm>> -> memref<8x1024xf32, #tpu.memory_space<hbm>>
    tpu.wait_dma2 semaphore(%arg24 : memref<!tpu.dma_semaphore, #tpu.memory_space<semaphore_mem>>) src(%dma_wait3A_156 : memref<8x1024xf32, #tpu.memory_space<hbm>>) dst(%arg18 : memref<8x1024xf32, #tpu.memory_space<vmem>>)
    %add3A_157 = arith.constant 0 : i32
    %add3A_158 = arith.addi %add3A_157, %add3A_152 : i32
    %dma_wait3A_159 = arith.constant 0 : i32
    %dma_wait3A_160 = tpu.memref_slice %arg2[%add3A_158, %dma_wait3A_159] : memref<32768x1024xf32, #tpu.memory_space<hbm>> -> memref<8x1024xf32, #tpu.memory_space<hbm>>
    %dma_wait3A_161 = arith.constant 0 : i32
    %dma_wait3A_162 = tpu.memref_slice %arg2[%add3A_158, %dma_wait3A_161] : memref<32768x1024xf32, #tpu.memory_space<hbm>> -> memref<8x1024xf32, #tpu.memory_space<hbm>>
    tpu.wait_dma2 semaphore(%arg21 : memref<!tpu.dma_semaphore, #tpu.memory_space<semaphore_mem>>) src(%dma_wait3A_162 : memref<8x1024xf32, #tpu.memory_space<hbm>>) dst(%arg6 : memref<8x1024xf32, #tpu.memory_space<vmem>>)
    %add3A_163 = arith.constant 8192 : i32
    %add3A_164 = arith.addi %add3A_163, %add3A_152 : i32
    %dma_wait3A_165 = arith.constant 0 : i32
    %dma_wait3A_166 = tpu.memref_slice %arg2[%add3A_164, %dma_wait3A_165] : memref<32768x1024xf32, #tpu.memory_space<hbm>> -> memref<8x1024xf32, #tpu.memory_space<hbm>>
    %dma_wait3A_167 = arith.constant 0 : i32
    %dma_wait3A_168 = tpu.memref_slice %arg2[%add3A_164, %dma_wait3A_167] : memref<32768x1024xf32, #tpu.memory_space<hbm>> -> memref<8x1024xf32, #tpu.memory_space<hbm>>
    tpu.wait_dma2 semaphore(%arg21 : memref<!tpu.dma_semaphore, #tpu.memory_space<semaphore_mem>>) src(%dma_wait3A_168 : memref<8x1024xf32, #tpu.memory_space<hbm>>) dst(%arg9 : memref<8x1024xf32, #tpu.memory_space<vmem>>)
    %add3A_169 = arith.constant 16384 : i32
    %add3A_170 = arith.addi %add3A_169, %add3A_152 : i32
    %dma_wait3A_171 = arith.constant 0 : i32
    %dma_wait3A_172 = tpu.memref_slice %arg2[%add3A_170, %dma_wait3A_171] : memref<32768x1024xf32, #tpu.memory_space<hbm>> -> memref<8x1024xf32, #tpu.memory_space<hbm>>
    %dma_wait3A_173 = arith.constant 0 : i32
    %dma_wait3A_174 = tpu.memref_slice %arg2[%add3A_170, %dma_wait3A_173] : memref<32768x1024xf32, #tpu.memory_space<hbm>> -> memref<8x1024xf32, #tpu.memory_space<hbm>>
    tpu.wait_dma2 semaphore(%arg21 : memref<!tpu.dma_semaphore, #tpu.memory_space<semaphore_mem>>) src(%dma_wait3A_174 : memref<8x1024xf32, #tpu.memory_space<hbm>>) dst(%arg12 : memref<8x1024xf32, #tpu.memory_space<vmem>>)
    %add3A_175 = arith.constant 24576 : i32
    %add3A_176 = arith.addi %add3A_175, %add3A_152 : i32
    %dma_wait3A_177 = arith.constant 0 : i32
    %dma_wait3A_178 = tpu.memref_slice %arg2[%add3A_176, %dma_wait3A_177] : memref<32768x1024xf32, #tpu.memory_space<hbm>> -> memref<8x1024xf32, #tpu.memory_space<hbm>>
    %dma_wait3A_179 = arith.constant 0 : i32
    %dma_wait3A_180 = tpu.memref_slice %arg2[%add3A_176, %dma_wait3A_179] : memref<32768x1024xf32, #tpu.memory_space<hbm>> -> memref<8x1024xf32, #tpu.memory_space<hbm>>
    tpu.wait_dma2 semaphore(%arg21 : memref<!tpu.dma_semaphore, #tpu.memory_space<semaphore_mem>>) src(%dma_wait3A_180 : memref<8x1024xf32, #tpu.memory_space<hbm>>) dst(%arg15 : memref<8x1024xf32, #tpu.memory_space<vmem>>)
    %parallel_loop3A_181 = arith.constant 0 : i32
    %parallel_loop3A_182 = arith.constant 512 : i32
    %parallel_loop3A_183 = arith.constant 1 : i32
    scf.for %parallel_loop3A_262 = %parallel_loop3A_181 to %parallel_loop3A_182 step %parallel_loop3A_183  : i32 {
      %parallel_loop3A_263 = arith.constant 6 : i32
      %parallel_loop3A_264 = arith.shrsi %parallel_loop3A_262, %parallel_loop3A_263 : i32
      %parallel_loop3A_265 = arith.constant 63 : i32
      %parallel_loop3A_266 = arith.andi %parallel_loop3A_262, %parallel_loop3A_265 : i32
      %parallel_loop3A_267 = arith.constant 16 : i32
      %parallel_loop3A_268 = arith.muli %parallel_loop3A_266, %parallel_loop3A_267 : i32
      %parallel_loop3A_269 = arith.index_cast %parallel_loop3A_264 : i32 to index
      %parallel_loop3A_270 = arith.index_cast %parallel_loop3A_268 : i32 to index
      %parallel_loop3A_271 = tpu.vector_load %arg18[%parallel_loop3A_269, %parallel_loop3A_270] {strides = array<i32>} : memref<8x1024xf32, #tpu.memory_space<vmem>>, vector<1x16xf32>,
      %parallel_loop3A_272 = vector.shape_cast %parallel_loop3A_271 : vector<1x16xf32> to vector<16xf32>
      %parallel_loop3A_273 = arith.index_cast %parallel_loop3A_264 : i32 to index
      %parallel_loop3A_274 = arith.index_cast %parallel_loop3A_268 : i32 to index
      %parallel_loop3A_275 = tpu.vector_load %arg6[%parallel_loop3A_273, %parallel_loop3A_274] {strides = array<i32>} : memref<8x1024xf32, #tpu.memory_space<vmem>>, vector<1x16xf32>,
      %parallel_loop3A_276 = vector.shape_cast %parallel_loop3A_275 : vector<1x16xf32> to vector<16xf32>
      %parallel_loop3A_277 = arith.addf %parallel_loop3A_276, %parallel_loop3A_272 : vector<16xf32>
      %parallel_loop3A_278 = arith.index_cast %parallel_loop3A_264 : i32 to index
      %parallel_loop3A_279 = arith.index_cast %parallel_loop3A_268 : i32 to index
      %parallel_loop3A_280 = tpu.vector_load %arg6[%parallel_loop3A_278, %parallel_loop3A_279] {strides = array<i32>} : memref<8x1024xf32, #tpu.memory_space<vmem>>, vector<1x16xf32>,
      %parallel_loop3A_281 = vector.shape_cast %parallel_loop3A_280 : vector<1x16xf32> to vector<16xf32>
      %parallel_loop3A_282 = vector.shape_cast %parallel_loop3A_277 : vector<16xf32> to vector<1x16xf32>
      tpu.vector_store %arg6[%parallel_loop3A_278, %parallel_loop3A_279], %parallel_loop3A_282 {strides = array<i32>} : memref<8x1024xf32, #tpu.memory_space<vmem>>, vector<1x16xf32>,
      %parallel_loop3A_283 = arith.index_cast %parallel_loop3A_264 : i32 to index
      %parallel_loop3A_284 = arith.index_cast %parallel_loop3A_268 : i32 to index
      %parallel_loop3A_285 = tpu.vector_load %arg9[%parallel_loop3A_283, %parallel_loop3A_284] {strides = array<i32>} : memref<8x1024xf32, #tpu.memory_space<vmem>>, vector<1x16xf32>,
      %parallel_loop3A_286 = vector.shape_cast %parallel_loop3A_285 : vector<1x16xf32> to vector<16xf32>
      %parallel_loop3A_287 = arith.addf %parallel_loop3A_286, %parallel_loop3A_272 : vector<16xf32>
      %parallel_loop3A_288 = arith.index_cast %parallel_loop3A_264 : i32 to index
      %parallel_loop3A_289 = arith.index_cast %parallel_loop3A_268 : i32 to index
      %parallel_loop3A_290 = tpu.vector_load %arg9[%parallel_loop3A_288, %parallel_loop3A_289] {strides = array<i32>} : memref<8x1024xf32, #tpu.memory_space<vmem>>, vector<1x16xf32>,
      %parallel_loop3A_291 = vector.shape_cast %parallel_loop3A_290 : vector<1x16xf32> to vector<16xf32>
      %parallel_loop3A_292 = vector.shape_cast %parallel_loop3A_287 : vector<16xf32> to vector<1x16xf32>
      tpu.vector_store %arg9[%parallel_loop3A_288, %parallel_loop3A_289], %parallel_loop3A_292 {strides = array<i32>} : memref<8x1024xf32, #tpu.memory_space<vmem>>, vector<1x16xf32>,
      %parallel_loop3A_293 = arith.index_cast %parallel_loop3A_264 : i32 to index
      %parallel_loop3A_294 = arith.index_cast %parallel_loop3A_268 : i32 to index
      %parallel_loop3A_295 = tpu.vector_load %arg12[%parallel_loop3A_293, %parallel_loop3A_294] {strides = array<i32>} : memref<8x1024xf32, #tpu.memory_space<vmem>>, vector<1x16xf32>,
      %parallel_loop3A_296 = vector.shape_cast %parallel_loop3A_295 : vector<1x16xf32> to vector<16xf32>
      %parallel_loop3A_297 = arith.addf %parallel_loop3A_296, %parallel_loop3A_272 : vector<16xf32>
      %parallel_loop3A_298 = arith.index_cast %parallel_loop3A_264 : i32 to index
      %parallel_loop3A_299 = arith.index_cast %parallel_loop3A_268 : i32 to index
      %parallel_loop3A_300 = tpu.vector_load %arg12[%parallel_loop3A_298, %parallel_loop3A_299] {strides = array<i32>} : memref<8x1024xf32, #tpu.memory_space<vmem>>, vector<1x16xf32>,
      %parallel_loop3A_301 = vector.shape_cast %parallel_loop3A_300 : vector<1x16xf32> to vector<16xf32>
      %parallel_loop3A_302 = vector.shape_cast %parallel_loop3A_297 : vector<16xf32> to vector<1x16xf32>
      tpu.vector_store %arg12[%parallel_loop3A_298, %parallel_loop3A_299], %parallel_loop3A_302 {strides = array<i32>} : memref<8x1024xf32, #tpu.memory_space<vmem>>, vector<1x16xf32>,
      %parallel_loop3A_303 = arith.index_cast %parallel_loop3A_264 : i32 to index
      %parallel_loop3A_304 = arith.index_cast %parallel_loop3A_268 : i32 to index
      %parallel_loop3A_305 = tpu.vector_load %arg15[%parallel_loop3A_303, %parallel_loop3A_304] {strides = array<i32>} : memref<8x1024xf32, #tpu.memory_space<vmem>>, vector<1x16xf32>,
      %parallel_loop3A_306 = vector.shape_cast %parallel_loop3A_305 : vector<1x16xf32> to vector<16xf32>
      %parallel_loop3A_307 = arith.addf %parallel_loop3A_306, %parallel_loop3A_272 : vector<16xf32>
      %parallel_loop3A_308 = arith.index_cast %parallel_loop3A_264 : i32 to index
      %parallel_loop3A_309 = arith.index_cast %parallel_loop3A_268 : i32 to index
      %parallel_loop3A_310 = tpu.vector_load %arg15[%parallel_loop3A_308, %parallel_loop3A_309] {strides = array<i32>} : memref<8x1024xf32, #tpu.memory_space<vmem>>, vector<1x16xf32>,
      %parallel_loop3A_311 = vector.shape_cast %parallel_loop3A_310 : vector<1x16xf32> to vector<16xf32>
      %parallel_loop3A_312 = vector.shape_cast %parallel_loop3A_307 : vector<16xf32> to vector<1x16xf32>
      tpu.vector_store %arg15[%parallel_loop3A_308, %parallel_loop3A_309], %parallel_loop3A_312 {strides = array<i32>} : memref<8x1024xf32, #tpu.memory_space<vmem>>, vector<1x16xf32>,
    } {sc.loop_unroll_factor = 8 : i64, sc.parallel_access}
    %add3A_184 = arith.constant 248 : i32
    %add3A_185 = arith.addi %mul3A_2, %add3A_184 : i32
    %add3A_186 = arith.constant 0 : i32
    %add3A_187 = arith.addi %add3A_186, %add3A_185 : i32
    %dma_start3A_188 = arith.constant 0 : i32
    %dma_start3A_189 = tpu.memref_slice %arg4[%add3A_187, %dma_start3A_188] : memref<32768x1024xf32, #tpu.memory_space<hbm>> -> memref<8x1024xf32, #tpu.memory_space<hbm>>
    %dma_start3A_190 = arith.constant 0 : i32
    %dma_start3A_191 = tpu.memref_slice %arg4[%add3A_187, %dma_start3A_190] : memref<32768x1024xf32, #tpu.memory_space<hbm>> -> memref<8x1024xf32, #tpu.memory_space<hbm>>
    tpu.enqueue_dma source(%arg6 : memref<8x1024xf32, #tpu.memory_space<vmem>>) target(%dma_start3A_191 : memref<8x1024xf32, #tpu.memory_space<hbm>>) target_semaphore(%arg27 : memref<!tpu.dma_semaphore, #tpu.memory_space<semaphore_mem>>)
    %add3A_192 = arith.constant 8192 : i32
    %add3A_193 = arith.addi %add3A_192, %add3A_185 : i32
    %dma_start3A_194 = arith.constant 0 : i32
    %dma_start3A_195 = tpu.memref_slice %arg4[%add3A_193, %dma_start3A_194] : memref<32768x1024xf32, #tpu.memory_space<hbm>> -> memref<8x1024xf32, #tpu.memory_space<hbm>>
    %dma_start3A_196 = arith.constant 0 : i32
    %dma_start3A_197 = tpu.memref_slice %arg4[%add3A_193, %dma_start3A_196] : memref<32768x1024xf32, #tpu.memory_space<hbm>> -> memref<8x1024xf32, #tpu.memory_space<hbm>>
    tpu.enqueue_dma source(%arg9 : memref<8x1024xf32, #tpu.memory_space<vmem>>) target(%dma_start3A_197 : memref<8x1024xf32, #tpu.memory_space<hbm>>) target_semaphore(%arg27 : memref<!tpu.dma_semaphore, #tpu.memory_space<semaphore_mem>>)
    %add3A_198 = arith.constant 16384 : i32
    %add3A_199 = arith.addi %add3A_198, %add3A_185 : i32
    %dma_start3A_200 = arith.constant 0 : i32
    %dma_start3A_201 = tpu.memref_slice %arg4[%add3A_199, %dma_start3A_200] : memref<32768x1024xf32, #tpu.memory_space<hbm>> -> memref<8x1024xf32, #tpu.memory_space<hbm>>
    %dma_start3A_202 = arith.constant 0 : i32
    %dma_start3A_203 = tpu.memref_slice %arg4[%add3A_199, %dma_start3A_202] : memref<32768x1024xf32, #tpu.memory_space<hbm>> -> memref<8x1024xf32, #tpu.memory_space<hbm>>
    tpu.enqueue_dma source(%arg12 : memref<8x1024xf32, #tpu.memory_space<vmem>>) target(%dma_start3A_203 : memref<8x1024xf32, #tpu.memory_space<hbm>>) target_semaphore(%arg27 : memref<!tpu.dma_semaphore, #tpu.memory_space<semaphore_mem>>)
    %add3A_204 = arith.constant 24576 : i32
    %add3A_205 = arith.addi %add3A_204, %add3A_185 : i32
    %dma_start3A_206 = arith.constant 0 : i32
    %dma_start3A_207 = tpu.memref_slice %arg4[%add3A_205, %dma_start3A_206] : memref<32768x1024xf32, #tpu.memory_space<hbm>> -> memref<8x1024xf32, #tpu.memory_space<hbm>>
    %dma_start3A_208 = arith.constant 0 : i32
    %dma_start3A_209 = tpu.memref_slice %arg4[%add3A_205, %dma_start3A_208] : memref<32768x1024xf32, #tpu.memory_space<hbm>> -> memref<8x1024xf32, #tpu.memory_space<hbm>>
    tpu.enqueue_dma source(%arg15 : memref<8x1024xf32, #tpu.memory_space<vmem>>) target(%dma_start3A_209 : memref<8x1024xf32, #tpu.memory_space<hbm>>) target_semaphore(%arg27 : memref<!tpu.dma_semaphore, #tpu.memory_space<semaphore_mem>>)
    %add3A_210 = arith.constant 240 : i32
    %add3A_211 = arith.addi %mul3A_2, %add3A_210 : i32
    %add3A_212 = arith.constant 0 : i32
    %add3A_213 = arith.addi %add3A_212, %add3A_211 : i32
    %dma_wait3A_214 = arith.constant 0 : i32
    %dma_wait3A_215 = tpu.memref_slice %arg4[%add3A_213, %dma_wait3A_214] : memref<32768x1024xf32, #tpu.memory_space<hbm>> -> memref<8x1024xf32, #tpu.memory_space<hbm>>
    %dma_wait3A_216 = arith.constant 0 : i32
    %dma_wait3A_217 = tpu.memref_slice %arg4[%add3A_213, %dma_wait3A_216] : memref<32768x1024xf32, #tpu.memory_space<hbm>> -> memref<8x1024xf32, #tpu.memory_space<hbm>>
    tpu.wait_dma2 semaphore(%arg26 : memref<!tpu.dma_semaphore, #tpu.memory_space<semaphore_mem>>) src(%arg5 : memref<8x1024xf32, #tpu.memory_space<vmem>>) dst(%dma_wait3A_217 : memref<8x1024xf32, #tpu.memory_space<hbm>>)
    %add3A_218 = arith.constant 8192 : i32
    %add3A_219 = arith.addi %add3A_218, %add3A_211 : i32
    %dma_wait3A_220 = arith.constant 0 : i32
    %dma_wait3A_221 = tpu.memref_slice %arg4[%add3A_219, %dma_wait3A_220] : memref<32768x1024xf32, #tpu.memory_space<hbm>> -> memref<8x1024xf32, #tpu.memory_space<hbm>>
    %dma_wait3A_222 = arith.constant 0 : i32
    %dma_wait3A_223 = tpu.memref_slice %arg4[%add3A_219, %dma_wait3A_222] : memref<32768x1024xf32, #tpu.memory_space<hbm>> -> memref<8x1024xf32, #tpu.memory_space<hbm>>
    tpu.wait_dma2 semaphore(%arg26 : memref<!tpu.dma_semaphore, #tpu.memory_space<semaphore_mem>>) src(%arg8 : memref<8x1024xf32, #tpu.memory_space<vmem>>) dst(%dma_wait3A_223 : memref<8x1024xf32, #tpu.memory_space<hbm>>)
    %add3A_224 = arith.constant 16384 : i32
    %add3A_225 = arith.addi %add3A_224, %add3A_211 : i32
    %dma_wait3A_226 = arith.constant 0 : i32
    %dma_wait3A_227 = tpu.memref_slice %arg4[%add3A_225, %dma_wait3A_226] : memref<32768x1024xf32, #tpu.memory_space<hbm>> -> memref<8x1024xf32, #tpu.memory_space<hbm>>
    %dma_wait3A_228 = arith.constant 0 : i32
    %dma_wait3A_229 = tpu.memref_slice %arg4[%add3A_225, %dma_wait3A_228] : memref<32768x1024xf32, #tpu.memory_space<hbm>> -> memref<8x1024xf32, #tpu.memory_space<hbm>>
    tpu.wait_dma2 semaphore(%arg26 : memref<!tpu.dma_semaphore, #tpu.memory_space<semaphore_mem>>) src(%arg11 : memref<8x1024xf32, #tpu.memory_space<vmem>>) dst(%dma_wait3A_229 : memref<8x1024xf32, #tpu.memory_space<hbm>>)
    %add3A_230 = arith.constant 24576 : i32
    %add3A_231 = arith.addi %add3A_230, %add3A_211 : i32
    %dma_wait3A_232 = arith.constant 0 : i32
    %dma_wait3A_233 = tpu.memref_slice %arg4[%add3A_231, %dma_wait3A_232] : memref<32768x1024xf32, #tpu.memory_space<hbm>> -> memref<8x1024xf32, #tpu.memory_space<hbm>>
    %dma_wait3A_234 = arith.constant 0 : i32
    %dma_wait3A_235 = tpu.memref_slice %arg4[%add3A_231, %dma_wait3A_234] : memref<32768x1024xf32, #tpu.memory_space<hbm>> -> memref<8x1024xf32, #tpu.memory_space<hbm>>
    tpu.wait_dma2 semaphore(%arg26 : memref<!tpu.dma_semaphore, #tpu.memory_space<semaphore_mem>>) src(%arg14 : memref<8x1024xf32, #tpu.memory_space<vmem>>) dst(%dma_wait3A_235 : memref<8x1024xf32, #tpu.memory_space<hbm>>)
    %add3A_236 = arith.constant 248 : i32
    %add3A_237 = arith.addi %mul3A_2, %add3A_236 : i32
    %add3A_238 = arith.constant 0 : i32
    %add3A_239 = arith.addi %add3A_238, %add3A_237 : i32
    %dma_wait3A_240 = arith.constant 0 : i32
    %dma_wait3A_241 = tpu.memref_slice %arg4[%add3A_239, %dma_wait3A_240] : memref<32768x1024xf32, #tpu.memory_space<hbm>> -> memref<8x1024xf32, #tpu.memory_space<hbm>>
    %dma_wait3A_242 = arith.constant 0 : i32
    %dma_wait3A_243 = tpu.memref_slice %arg4[%add3A_239, %dma_wait3A_242] : memref<32768x1024xf32, #tpu.memory_space<hbm>> -> memref<8x1024xf32, #tpu.memory_space<hbm>>
    tpu.wait_dma2 semaphore(%arg27 : memref<!tpu.dma_semaphore, #tpu.memory_space<semaphore_mem>>) src(%arg6 : memref<8x1024xf32, #tpu.memory_space<vmem>>) dst(%dma_wait3A_243 : memref<8x1024xf32, #tpu.memory_space<hbm>>)
    %add3A_244 = arith.constant 8192 : i32
    %add3A_245 = arith.addi %add3A_244, %add3A_237 : i32
    %dma_wait3A_246 = arith.constant 0 : i32
    %dma_wait3A_247 = tpu.memref_slice %arg4[%add3A_245, %dma_wait3A_246] : memref<32768x1024xf32, #tpu.memory_space<hbm>> -> memref<8x1024xf32, #tpu.memory_space<hbm>>
    %dma_wait3A_248 = arith.constant 0 : i32
    %dma_wait3A_249 = tpu.memref_slice %arg4[%add3A_245, %dma_wait3A_248] : memref<32768x1024xf32, #tpu.memory_space<hbm>> -> memref<8x1024xf32, #tpu.memory_space<hbm>>
    tpu.wait_dma2 semaphore(%arg27 : memref<!tpu.dma_semaphore, #tpu.memory_space<semaphore_mem>>) src(%arg9 : memref<8x1024xf32, #tpu.memory_space<vmem>>) dst(%dma_wait3A_249 : memref<8x1024xf32, #tpu.memory_space<hbm>>)
    %add3A_250 = arith.constant 16384 : i32
    %add3A_251 = arith.addi %add3A_250, %add3A_237 : i32
    %dma_wait3A_252 = arith.constant 0 : i32
    %dma_wait3A_253 = tpu.memref_slice %arg4[%add3A_251, %dma_wait3A_252] : memref<32768x1024xf32, #tpu.memory_space<hbm>> -> memref<8x1024xf32, #tpu.memory_space<hbm>>
    %dma_wait3A_254 = arith.constant 0 : i32
    %dma_wait3A_255 = tpu.memref_slice %arg4[%add3A_251, %dma_wait3A_254] : memref<32768x1024xf32, #tpu.memory_space<hbm>> -> memref<8x1024xf32, #tpu.memory_space<hbm>>
    tpu.wait_dma2 semaphore(%arg27 : memref<!tpu.dma_semaphore, #tpu.memory_space<semaphore_mem>>) src(%arg12 : memref<8x1024xf32, #tpu.memory_space<vmem>>) dst(%dma_wait3A_255 : memref<8x1024xf32, #tpu.memory_space<hbm>>)
    %add3A_256 = arith.constant 24576 : i32
    %add3A_257 = arith.addi %add3A_256, %add3A_237 : i32
    %dma_wait3A_258 = arith.constant 0 : i32
    %dma_wait3A_259 = tpu.memref_slice %arg4[%add3A_257, %dma_wait3A_258] : memref<32768x1024xf32, #tpu.memory_space<hbm>> -> memref<8x1024xf32, #tpu.memory_space<hbm>>
    %dma_wait3A_260 = arith.constant 0 : i32
    %dma_wait3A_261 = tpu.memref_slice %arg4[%add3A_257, %dma_wait3A_260] : memref<32768x1024xf32, #tpu.memory_space<hbm>> -> memref<8x1024xf32, #tpu.memory_space<hbm>>
    tpu.wait_dma2 semaphore(%arg27 : memref<!tpu.dma_semaphore, #tpu.memory_space<semaphore_mem>>) src(%arg15 : memref<8x1024xf32, #tpu.memory_space<vmem>>) dst(%dma_wait3A_261 : memref<8x1024xf32, #tpu.memory_space<hbm>>)
    return
  }
}

</mosaic_0001>

<sc_bundles>
// kernel: kernel.3.cloned.1.call-start
scs
__scs_entry_jumppad:
0x0: {  	(pc) =	sbr.rel $0x88, $3  }
0x1: {  	(tag) =	ssettag $0x0;
	lr =	simm.s32 $0x1  }
0x2: {  	[smem:$0x3F9F] =	sst lr;
	_ =	strace $0xD0000000  }
0x3: {  	_ = 	snop  }
0x4: {  	_ = 	snop  }
0x5: {  	_ = 	snop  }
0x6: {  	_ = 	snop  }
0x7: {  	_ = 	snop  }
__scs_overlays_trampoline_lowered:
0x8: {  	[smem:$0x3FAE] =	sst s0  }
0x9: {  	[smem:$0x3FAF] =	sst s1  }
0xa: {  	[smem:$0x3FB0] =	sst s2  }
0xb: {  	[smem:$0x3FB1] =	sst s3  }
0xc: {  	[smem:$0x3FB2] =	sst s4  }
0xd: {  	[smem:$0x3FB3] =	sst s5  }
0xe: {  	[smem:$0x3FB4] =	sst s6  }
0xf: {  	[smem:$0x3FB5] =	sst s7  }
0x10: {  	[smem:$0x3FB6] =	sst s8  }
0x11: {  	[smem:$0x3FB7] =	sst s9;
	s0 =	simm.s32 @!p0 $0x0  }
0x12: {  	s1 =	sld [smem:$0x3F9D];
	s0 =	simm.s32 @p0 $0x1  }
0x13: {  	[smem:$0x3FB8] =	sst s0;
	s0 =	simm.s32 @!p1 $0x0  }
0x14: {  	s2 =	sld [smem:$0x3F9C];
	s0 =	simm.s32 @p1 $0x1  }
0x15: {  	[smem:$0x3FB9] =	sst s0;
	s0 =	simm.s32 @!p2 $0x0  }
0x16: {  	s3 =	sld [smem:$0x3FDB];
	s0 =	simm.s32 @p2 $0x1  }
0x17: {  	s4 =	simm.s32 $0x1BF5;
	[smem:$0x3FBB] =	sst s0  }
0x18: {  	s0 =	sld [smem:$0x3F9E];
	_ =	swait.ge [sflag:s4], $0x0  }
0x19: {  	s7 =	sld [smem:$0x3F9F]  }
0x1a: {  	s8 =	sadd.s32 $0xFFFFE003, lr  }
0x1b: {  	s9 =	sadd.s32 $0xFFFFFEF7, lr;
	s5 =	simm.s32 $0xFFFFFFFF;
	p2 =	slt.u32 s8, $0xFFFFF086  }
0x1c: {  	p1 =	slt.u32 s9, $0xF7A;
	s5 =	simm.s32 @!p2 $0x0  }
0x1d: {  	s5 =	simm.s32 @p1 $0x1;
	p0 =	seq.s32 s7, s2  }
0x1e: {  	s7 =	smul.u32 @!p0 $0xF7A, s2;
	p2 =	seq.s32 @!p0 s5, $0x0  }
0x1f: {  	s9 =	smul.u32 $0xF7A, s1;
	s8 =	simm.s32 @!p0 $0x1BF5;
	p2 =	por !p2, p0  }
0x20: {  	[sflag:s8] =	ssyncset.s32 @!p0 $0xFFFFF086;
	s6 =	sadd.s32 @!p0 s3, s7;
	s7 =	simm.s32 @!p0 $0x108  }
0x21: {  	s3 =	sadd.s32 s3, s9;
	s6 =	sadd.s32 @!p0 $0x88, s6;
	s7 =	simm.s32 @p2 $0x1082  }
0x22: {  	[simem:s7], [sflag:s8] =	dma.local @!p0 [hbm:s6], $0xF7A  }
0x23: {  	s9 =	sor.u32 $0xD0000000, s2;
	s6 =	simm.s32 $0x108;
	_ =	swait.ge @!p0 [sflag:s8], $0x0  }
0x24: {  	s3 =	sadd.s32 $0x88, s3;
	s6 =	simm.s32 @!p1 $0x1082;
	[sflag:s4] =	ssyncset.s32 $0xFFFFF086  }
0x25: {  	[simem:s6], [sflag:s4] =	dma.local [hbm:s3], $0xF7A  }
0x26: {  	[smem:$0x3F9F] =	sst s1;
	(tag) =	ssettag s2;
	_ =	strace s9  }
0x27: {  	s1 =	sld [smem:$0x3FAF]  }
0x28: {  	s2 =	sld [smem:$0x3FB0]  }
0x29: {  	s4 =	sld [smem:$0x3FB2]  }
0x2a: {  	p0 =	seq.s32 s5, $0x0;
	s5 =	sld [smem:$0x3FB3]  }
0x2b: {  	s6 =	sld [smem:$0x3FB4]  }
0x2c: {  	s7 =	sld [smem:$0x3FB5]  }
0x2d: {  	s3 =	simm.s32 $0x108;
	s8 =	sld [smem:$0x3FB6]  }
0x2e: {  	s3 =	simm.s32 @!p0 $0x1082;
	s9 =	sld [smem:$0x3FB7]  }
0x2f: {  	lr =	sadd.s32 s0, s3;
	s0 =	sld [smem:$0x3FAE]  }
0x30: {  	s3 =	sld [smem:$0x3FB1]  }
0x31: {  	[smem:$0x3FBA] =	sst s10  }
0x32: {  	s10 =	sld [smem:$0x3FB8];
	_ =	sdelay $0x3  }
0x33: {  	p0 =	seq.s32 s10, $0x1;
	s10 =	sld [smem:$0x3FBA];
	_ =	sdelay $0x3  }
0x34: {  	[smem:$0x3FBA] =	sst s10  }
0x35: {  	s10 =	sld [smem:$0x3FB9];
	_ =	sdelay $0x3  }
0x36: {  	p1 =	seq.s32 s10, $0x1;
	s10 =	sld [smem:$0x3FBA];
	_ =	sdelay $0x3  }
0x37: {  	[smem:$0x3FBA] =	sst s10  }
0x38: {  	s10 =	sld [smem:$0x3FBB]  }
0x39: {  	_ = 	snop;
	(pc) =	sbr.ind lr, $3  }
0x3a: {  	_ = 	snop  }
0x3b: {  	_ = 	snop  }
0x3c: {  	p2 =	seq.s32 s10, $0x1;
	s10 =	sld [smem:$0x3FBA]  }
0x3d: {  	_ =	shalt  }
0x3e: {  	_ =	shalt  }
0x3f: {  	_ =	shalt  }
0x40: {  	_ =	shalt  }
0x41: {  	_ =	shalt  }
0x42: {  	_ =	shalt  }
0x43: {  	_ =	shalt  }
0x44: {  	_ =	shalt  }
0x45: {  	_ =	shalt  }
0x46: {  	_ =	shalt  }
0x47: {  	_ =	shalt  }
0x48: {  	_ =	shalt  }
0x49: {  	_ =	shalt  }
0x4a: {  	_ =	shalt  }
0x4b: {  	_ =	shalt  }
0x4c: {  	_ =	shalt  }
0x4d: {  	_ =	shalt  }
0x4e: {  	_ =	shalt  }
0x4f: {  	_ =	shalt  }
0x50: {  	_ =	shalt  }
0x51: {  	_ =	shalt  }
0x52: {  	_ =	shalt  }
0x53: {  	_ =	shalt  }
0x54: {  	_ =	shalt  }
0x55: {  	_ =	shalt  }
0x56: {  	_ =	shalt  }
0x57: {  	_ =	shalt  }
0x58: {  	_ =	shalt  }
0x59: {  	_ =	shalt  }
0x5a: {  	_ =	shalt  }
0x5b: {  	_ =	shalt  }
0x5c: {  	_ =	shalt  }
0x5d: {  	_ =	shalt  }
0x5e: {  	_ =	shalt  }
0x5f: {  	_ =	shalt  }
0x60: {  	_ =	shalt  }
0x61: {  	_ =	shalt  }
0x62: {  	_ =	shalt  }
0x63: {  	_ =	shalt  }
0x64: {  	_ =	shalt  }
0x65: {  	_ =	shalt  }
0x66: {  	_ =	shalt  }
0x67: {  	_ =	shalt  }
0x68: {  	_ =	shalt  }
0x69: {  	_ =	shalt  }
0x6a: {  	_ =	shalt  }
0x6b: {  	_ =	shalt  }
0x6c: {  	_ =	shalt  }
0x6d: {  	_ =	shalt  }
0x6e: {  	_ =	shalt  }
0x6f: {  	_ =	shalt  }
0x70: {  	_ =	shalt  }
0x71: {  	_ =	shalt  }
0x72: {  	_ =	shalt  }
0x73: {  	_ =	shalt  }
0x74: {  	_ =	shalt  }
0x75: {  	_ =	shalt  }
0x76: {  	_ =	shalt  }
0x77: {  	_ =	shalt  }
0x78: {  	_ =	shalt  }
0x79: {  	_ =	shalt  }
0x7a: {  	_ =	shalt  }
0x7b: {  	_ =	shalt  }
0x7c: {  	_ =	shalt  }
0x7d: {  	_ =	shalt  }
0x7e: {  	_ =	shalt  }
0x7f: {  	_ =	shalt  }
0x80: {  	_ =	shalt  }
0x81: {  	_ =	shalt  }
0x82: {  	_ =	shalt  }
0x83: {  	_ =	shalt  }
0x84: {  	_ =	shalt  }
0x85: {  	_ =	shalt  }
0x86: {  	_ =	shalt  }
0x87: {  	_ =	shalt  }
.Lfunc_end0:
.L_simem_size_0:
called_computation_lowered:
.L_overlay_start_0:
0x88: {  	s2 =	sld [smem:$0x3FD9]  }
0x89: {  	s3 =	sld [smem:$0x3FFE];
	_ =	sdelay $0x1  }
0x8a: {  	s1 =	srdreg.scid  }
0x8b: {  	s0 =	sand.u32 $0x1, s1  }
0x8c: {  	s18 =	sshll.u32 s0, $0xA;
	s2 =	sadd.s32 s3, s2  }
0x8d: {  	s2 =	sadd.s32 s2, s18  }
0x8e: {  	[smem:$0x3FC6] =	sst s2  }
0x8f: {  	_ = 	snop  }
0x90: {  	s2 =	sld [smem:$0x3FC9]  }
0x91: {  	s19 =	sld [smem:$0x3FC8]  }
0x92: {  	s4 =	sld [smem:$0x3FD0];
	(tm) =	ssettm $0x1  }
0x93: {  	s5 =	sld [smem:$0x3FFB];
	_ =	sdelay $0x3  }
0x94: {  	_ =	strace s5  }
0x95: {  	s5 =	sld [smem:$0x3FFC];
	_ =	sdelay $0x3  }
0x96: {  	_ =	strace s5  }
0x97: {  	s5 =	sld [smem:$0x3FFD];
	_ =	sdelay $0x3  }
0x98: {  	_ =	strace s5  }
0x99: {  	_ =	strace $0x8FFFFFFF  }
0x9a: {  	s20 =	sld [smem:$0x3FDB];
	_ =	sdelay $0x1  }
0x9b: {  	s6 =	simm.s32 $_scs_section_size  }
0x9c: {  	s7 =	simm.s32 $_size__tile_overlayer_lowered;
	s8 =	simm.s32 $_tile_overlayer_lowered  }
0x9d: {  	s23 =	simm.s32 $0x1BFF;
	s22 =	sshll.u32 s8, $0x1;
	s5 =	sadd.s32 s6, s20  }
0x9e: {  	s9 =	simm.s32 $0x0;
	s21 =	sshll.u32 s7, $0x1;
	s7 =	sadd.s32 s22, s5  }
0x9f: {  	[timem:s9], [sflag:s23] =	dma.local [hbm:s7], s21  }
0xa0: {  	_ =	swait.ge [sflag:s23], s21  }
0xa1: {  	s6 =	ssub.s32 $0x0, s21;
	[sflag:s23] =	ssyncset.done $0x0  }
0xa2: {  	[sflag:s23] =	ssyncadd.s32 s6;
	_ =	sdelay $0x1  }
0xa3: {  	s24 =	simm.s32 $0x1B8B  }
0xa4: {  	_ =	swait.ge [sflag:s24], $0x1  }
0xa5: {  	[sflag:s24] =	ssyncset.done $0x0  }
0xa6: {  	s25 =	simm.s32 $0x1B8E;
	[sflag:s24] =	ssyncadd.s32 $0xFFFFFFFF  }
0xa7: {  	s26 =	simm.s32 $execute0_lowered;
	[smem:$0x3FD2] =	sst s25  }
0xa8: {  	s6 =	sshll.u32 s26, $0x1;
	_ =	strace $0x80000046;
	[dreg:$0x1] =	wrdreg $0xFFFFFFFF  }
0xa9: {  	s28 =	simm.s32 $_size_execute0_lowered;
	s5 =	sadd.s32 s5, s6;
	[dreg:$0x0] =	wrdreg $0x0  }
0xaa: {  	s6 =	sshll.u32 s28, $0x1;
	[dreg:$0x2] =	wrdreg s5  }
0xab: {  	[dreg:$0x3] =	wrdreg s6  }
0xac: {  	[dreg:$0x4] =	wrdreg $0xC0  }
0xad: {  	_ =	task [dreg:s9], $0x5FFFF  }
0xae: {  	[dreg:$0x1] =	wrdreg $0xFFFFFFFF  }
0xaf: {  	[dreg:$0x0] =	wrdreg $0x60  }
0xb0: {  	[dreg:$0x2] =	wrdreg s2  }
0xb1: {  	[dreg:$0x3] =	wrdreg s19  }
0xb2: {  	[dreg:$0x4] =	wrdreg s4  }
0xb3: {  	[dreg:$0x5] =	wrdreg $0x9  }
0xb4: {  	_ =	task.clear_ibuf [dreg:s9], $0x6FFFF;
	_ =	strace $0x90000046  }
0xb5: {  	s29 =	simm.s32 $0x9;
	_ =	strace $0x80000048  }
0xb6: {  	_ =	swait.ge [sflag:s29], $0x1  }
0xb7: {  	[sflag:s29] =	ssyncadd.s32 $0xFFFFFFFF  }
0xb8: {  	_ =	strace $0x90000048  }
0xb9: {  	_ =	sfence  }
0xba: {  	s30 =	sld [smem:$0x0];
	_ =	sdelay $0x2  }
0xbb: {  	s31 =	sshll.u32 s1, $0xD;
	s1 =	sshrl.u32 s1, $0x2  }
0xbc: {  	s3 =	sand.u32 $0x4000, s31;
	s1 =	sadd.s32 s1, s30  }
0xbd: {  	s0 =	sor.u32 s3, s0;
	s1 =	sshll.u32 s1, $0x11  }
0xbe: {  	s0 =	sor.u32 s1, s0  }
0xbf: {  	s0 =	sadd.s32 $0x8F2B, s0  }
0xc0: {  	[sflag:s0] =	ssyncadd.remote.s32 $0x1  }
0xc1: {  	_ =	sfence.sel $0xFFFF  }
0xc2: {  	[dreg:$0x0] =	wrdreg $0xFFFFFFFF;
	(pc) =	sbr.abs _section_cstart, $3  }
0xc3: {  	[dreg:$0x1] =	wrdreg $0xFFFFFFFF  }
0xc4: {  	_ =	task.clear_ibuf [dreg:s9], $0x2FFFF;
	_ =	strace $0x9FFFFFFF  }
0xc5: {  	(tm) =	ssettm $0x7FFFFFFF  }
tec
execute0_lowered:
.L_overlay_start_1:
0x0: {  	(tag) =	ssettag $0x1  }
0x1: {  	s2 =	rddreg [dreg:$0x0]  }
0x2: {  	s3 =	rddreg [dreg:$0x1];
	s0 =	srdreg.scid  }
0x3: {  	s4 =	rddreg [dreg:$0x2];
	s1 =	stileid.u32  }
0x4: {  	s5 =	simm.s32 $0x0;
	s0 =	sand.u32 $0x1, s0;
	s1 =	sshll.u32 s1, $0x9  }
0x5: {  	[smem:$0x7FF] =	sst s5;
	s6 =	sshll.u32 s0, $0x8;
	s0 =	ssub.s32 $0x2, s0  }
0x6: {  	_ =	strace $0x80000047;
	s7 =	sor.u32 s6, s1;
	s26 =	sshrl.u32 s0, $0x1  }
0x7: {  	s6 =	sshll.u32 s7, $0x7;
	s25 =	sor.u32 $0x10, s7;
	[dreg:$0x4] =	wrdreg s7  }
0x8: {  	s0 =	ssub.s32 s0, s26;
	s26 =	sor.u32 $0x8, s7;
	[dreg:$0x18] =	wrdreg s25  }
0x9: {  	s9 =	sadd.s32 $0x100000, s2;
	s28 =	sadd.s32 s3, s6;
	[dreg:$0x19] =	wrdreg s26  }
0xa: {  	s10 =	sadd.s32 $0x200000, s2;
	s29 =	sadd.s32 s6, s9;
	[dreg:$0x5] =	wrdreg s28  }
0xb: {  	s13 =	sadd.s32 $0x300000, s2;
	s11 =	sadd.s32 s6, s10;
	[dreg:$0x7] =	wrdreg s29  }
0xc: {  	s12 =	sadd.s32 s6, s13;
	[dreg:$0x8] =	wrdreg s11  }
0xd: {  	s0 =	smax.u32 s0, $0x1;
	[dreg:$0x9] =	wrdreg s12  }
0xe: {  	s8 =	sadd.s32 s2, s6;
	s14 =	sor.u32 $0x400, s6;
	[dreg:$0x16] =	wrdreg s0  }
0xf: {  	s6 =	sadd.s32 s6, s4;
	s11 =	sadd.s32 s3, s14;
	[dreg:$0x6] =	wrdreg s8  }
0x10: {  	s15 =	sadd.s32 $0x107800, s6;
	[dreg:$0xa] =	wrdreg s11  }
0x11: {  	s16 =	sadd.s32 $0x207800, s6;
	[dreg:$0xb] =	wrdreg s15  }
0x12: {  	s17 =	sadd.s32 $0x7800, s6;
	[dreg:$0xc] =	wrdreg s16  }
0x13: {  	s18 =	sadd.s32 $0x307800, s6;
	[dreg:$0xd] =	wrdreg s17  }
0x14: {  	s19 =	sadd.s32 $0x107C00, s6;
	[dreg:$0xe] =	wrdreg s18  }
0x15: {  	s20 =	sadd.s32 $0x7C00, s6;
	[dreg:$0xf] =	wrdreg s19  }
0x16: {  	s21 =	sadd.s32 $0x207C00, s6;
	[dreg:$0x10] =	wrdreg s20  }
0x17: {  	s6 =	sadd.s32 $0x307C00, s6;
	[dreg:$0x11] =	wrdreg s21  }
0x18: {  	s1 =	sadd.s32 s2, s14;
	[dreg:$0x12] =	wrdreg s6  }
0x19: {  	s30 =	sadd.s32 $0x100000, s4;
	s22 =	sadd.s32 $0x100400, s8;
	[dreg:$0x13] =	wrdreg s1  }
0x1a: {  	s31 =	sadd.s32 $0x200000, s4;
	s23 =	sadd.s32 $0x200400, s8;
	[dreg:$0x14] =	wrdreg s22  }
0x1b: {  	s25 =	simm.s32 $0x5;
	s24 =	sadd.s32 $0x300400, s8;
	[dreg:$0x15] =	wrdreg s23  }
0x1c: {  	s0 =	sadd.s32 $0x300000, s4;
	s28 =	sor.u32 $0x18, s7;
	[dreg:$0x17] =	wrdreg s24  }
0x1d: {  	s29 =	sor.u32 $0x20, s7;
	s3 =	simm.s32 $0x8000;
	[dreg:$0x1a] =	wrdreg s28  }
0x1e: {  	s14 =	simm.s32 $0x2;
	s7 =	simm.s32 $0x8;
	[dreg:$0x1b] =	wrdreg s29  }
0x1f: {  	s20 =	simm.s32 $0x2000;
	s6 =	simm.s32 $0xE000;
	s21 =	simm.s32 $0x14000  }
0x20: {  	s24 =	simm.s32 $0x1;
	s22 =	simm.s32 $0x4000;
	s18 =	simm.s32 $0x7  }
0x21: {  	s1 =	simm.s32 $0x3;
	s11 =	simm.s32 $0x0;
	s23 =	simm.s32 $0x14000  }
.LBB2_1:
0x22: {  	[dreg:$0x1c] =	wrdreg s11  }
0x23: {  	s8 =	rddreg [dreg:$0x5];
	s16 =	simm.s32 $0x18000  }
0x24: {  	[tilespmem:s16], [sflag:$0x4] =	stream.linear.gather [hbm4b:s8+s5], $0x2000, $0x38;
	[tilespmem:$0x1E000] =	vst v63  }
0x25: {  	s17 =	rddreg [dreg:$0x6]  }
0x26: {  	[tilespmem:s5], [sflag:$0x1] =	stream.linear.gather [hbm4b:s17+s5], $0x2000, $0x38;
	[tilespmem:$0x1E000] =	vst v63  }
0x27: {  	s19 =	rddreg [dreg:$0x7];
	s26 =	simm.s32 $0x6000  }
0x28: {  	[tilespmem:s26], [sflag:$0x1] =	stream.linear.gather [hbm4b:s19+s5], $0x2000, $0x38;
	[tilespmem:$0x1E000] =	vst v63  }
0x29: {  	s28 =	rddreg [dreg:$0x8];
	s29 =	simm.s32 $0xC000  }
0x2a: {  	[tilespmem:s29], [sflag:$0x1] =	stream.linear.gather [hbm4b:s28+s5], $0x2000, $0x38;
	[tilespmem:$0x1E000] =	vst v63  }
0x2b: {  	s12 =	rddreg [dreg:$0x9];
	s15 =	simm.s32 $0x12000  }
0x2c: {  	[tilespmem:s15], [sflag:$0x1] =	stream.linear.gather [hbm4b:s12+s5], $0x2000, $0x38;
	[tilespmem:$0x1E000] =	vst v63  }
0x2d: {  	s16 =	rddreg [dreg:$0xa];
	s17 =	simm.s32 $0x1A000  }
0x2e: {  	[tilespmem:s17], [sflag:$0x5] =	stream.linear.gather [hbm4b:s16+s5], $0x2000, $0x38;
	[tilespmem:$0x1E000] =	vst v63  }
0x2f: {  	s19 =	rddreg [dreg:$0x13]  }
0x30: {  	[tilespmem:s20], [sflag:$0x2] =	stream.linear.gather [hbm4b:s19+s5], $0x2000, $0x38;
	[tilespmem:$0x1E000] =	vst v63  }
0x31: {  	s26 =	rddreg [dreg:$0x14]  }
0x32: {  	[tilespmem:s3], [sflag:$0x2] =	stream.linear.gather [hbm4b:s26+s5], $0x2000, $0x38;
	[tilespmem:$0x1E000] =	vst v63  }
0x33: {  	s28 =	rddreg [dreg:$0x15]  }
0x34: {  	[tilespmem:s6], [sflag:$0x2] =	stream.linear.gather [hbm4b:s28+s5], $0x2000, $0x38;
	[tilespmem:$0x1E000] =	vst v63  }
0x35: {  	s11 =	simm.s32 $0x0;
	s29 =	rddreg [dreg:$0x17]  }
0x36: {  	[tilespmem:s21], [sflag:$0x2] =	stream.linear.gather [hbm4b:s29+s5], $0x2000, $0x38;
	[tilespmem:$0x1E000] =	vst v63  }
.LBB2_2:
0x37: {  	s8 =	simm.s32 $0x4  }
0x38: {  	_ =	swait.ge [sflag:s8], $0x2000  }
0x39: {  	[sflag:s8] =	ssyncset.done $0x0  }
0x3a: {  	[sflag:s8] =	ssyncadd.s32 $0xFFFFE000  }
0x3b: {  	_ =	swait.ge [sflag:s24], $0x2000  }
0x3c: {  	[sflag:s24] =	ssyncset.done $0x0  }
0x3d: {  	[sflag:s24] =	ssyncadd.s32 $0xFFFFE000  }
0x3e: {  	_ =	swait.ge [sflag:s24], $0x2000  }
0x3f: {  	[sflag:s24] =	ssyncset.done $0x0  }
0x40: {  	[sflag:s24] =	ssyncadd.s32 $0xFFFFE000  }
0x41: {  	_ =	swait.ge [sflag:s24], $0x2000  }
0x42: {  	[sflag:s24] =	ssyncset.done $0x0  }
0x43: {  	s12 =	simm.s32 $0x0;
	[sflag:s24] =	ssyncadd.s32 $0xFFFFE000  }
0x44: {  	s29 =	sand.u32 $0x1C00, s12;
	_ =	swait.ge [sflag:s24], $0x2000  }
0x45: {  	s15 =	sor.u32 s29, s12;
	[sflag:s24] =	ssyncset.done $0x0  }
0x46: {  	s15 =	sor.u32 $0x70, s15;
	[sflag:s24] =	ssyncadd.s32 $0xFFFFE000  }
0x47: {  	v0 =	vld [tilespmem:s15+$0x18000]  }
0x48: {  	v1 =	vld [tilespmem:s15+$0x12000]  }
0x49: {  	v2 =	vld [tilespmem:s15+$0x0]  }
0x4a: {  	s16 =	sand.u32 $0x380, s12;
	v3 =	vld [tilespmem:s15+$0x6000]  }
0x4b: {  	s8 =	sor.u32 s16, s29;
	v4 =	vld [tilespmem:s15+$0xC000]  }
0x4c: {  	v5 =	vld [tilespmem:s8+$0x18000]  }
0x4d: {  	v6 =	vld [tilespmem:s8+$0x0]  }
0x4e: {  	v7 =	vld [tilespmem:s8+$0x6000]  }
0x4f: {  	v8 =	vld [tilespmem:s8+$0xC000]  }
0x50: {  	v9 =	vld [tilespmem:s8+$0x12000]  }
0x51: {  	v10 =	vld [tilespmem:s8+$0x18010]  }
0x52: {  	v11 =	vld [tilespmem:s8+$0x10];
	v1 =	vadd.f32 v1, v0  }
0x53: {  	v12 =	vld [tilespmem:s8+$0x6010];
	v2 =	vadd.f32 v2, v0  }
0x54: {  	v62 =	vld [tilespmem:s8+$0x18030];
	v3 =	vadd.f32 v3, v0;
	[tilespmem:s15+$0x12000] =	vst v1  }
0x55: {  	v63 =	vld [tilespmem:s8+$0x18040];
	v0 =	vadd.f32 v4, v0;
	[tilespmem:s15+$0x0] =	vst v2  }
0x56: {  	v4 =	vld [tilespmem:s8+$0x18020];
	[tilespmem:s15+$0x6000] =	vst v3;
	v3 =	vadd.f32 v6, v5  }
0x57: {  	v1 =	vld [tilespmem:s8+$0xC010];
	[tilespmem:s15+$0xC000] =	vst v0;
	v0 =	vadd.f32 v7, v5  }
0x58: {  	v2 =	vld [tilespmem:s8+$0x12010];
	[tilespmem:s8+$0x0] =	vst v3;
	v3 =	vadd.f32 v8, v5  }
0x59: {  	v6 =	vld [tilespmem:s8+$0x20];
	[tilespmem:s8+$0x6000] =	vst v0;
	v0 =	vadd.f32 v9, v5  }
0x5a: {  	v7 =	vld [tilespmem:s8+$0x6020];
	[tilespmem:s8+$0xC000] =	vst v3;
	v3 =	vadd.f32 v11, v10  }
0x5b: {  	v5 =	vld [tilespmem:s8+$0xC020];
	[tilespmem:s8+$0x12000] =	vst v0;
	v0 =	vadd.f32 v12, v10  }
0x5c: {  	v8 =	vld [tilespmem:s8+$0x12020];
	v1 =	vadd.f32 v1, v10;
	[tilespmem:s8+$0x10] =	vst v3  }
0x5d: {  	v3 =	vld [tilespmem:s8+$0x30];
	[tilespmem:s8+$0x6010] =	vst v0;
	v0 =	vadd.f32 v2, v10  }
0x5e: {  	v2 =	vld [tilespmem:s8+$0x6030];
	[tilespmem:s8+$0xC010] =	vst v1;
	v1 =	vadd.f32 v6, v4  }
0x5f: {  	v6 =	vld [tilespmem:s8+$0xC030];
	[tilespmem:s8+$0x12010] =	vst v0;
	v0 =	vadd.f32 v7, v4  }
0x60: {  	v7 =	vld [tilespmem:s8+$0x12030];
	[tilespmem:s8+$0x20] =	vst v1;
	v1 =	vadd.f32 v5, v4  }
0x61: {  	[tilespmem:s8+$0x6020] =	vst v0;
	v0 =	vadd.f32 v8, v4;
	v4 =	vld [tilespmem:s8+$0x40]  }
0x62: {  	[tilespmem:s8+$0xC020] =	vst v1;
	v1 =	vadd.f32 v3, v62;
	v3 =	vld [tilespmem:s8+$0x6040]  }
0x63: {  	[tilespmem:s8+$0x12020] =	vst v0;
	v0 =	vadd.f32 v2, v62;
	v2 =	vld [tilespmem:s8+$0xC040]  }
0x64: {  	[tilespmem:s8+$0x30] =	vst v1;
	v1 =	vadd.f32 v6, v62;
	v6 =	vld [tilespmem:s8+$0x12040]  }
0x65: {  	v5 =	vadd.f32 v7, v62;
	[tilespmem:s8+$0x6030] =	vst v0;
	v0 =	vld [tilespmem:s8+$0x18050]  }
0x66: {  	[tilespmem:s8+$0xC030] =	vst v1;
	v1 =	vadd.f32 v4, v63;
	v4 =	vld [tilespmem:s8+$0x50]  }
0x67: {  	[tilespmem:s8+$0x12030] =	vst v5;
	v5 =	vld [tilespmem:s8+$0x6050];
	v7 =	vadd.f32 v3, v63  }
0x68: {  	v3 =	vld [tilespmem:s8+$0xC050];
	[tilespmem:s8+$0x40] =	vst v1;
	v1 =	vadd.f32 v2, v63  }
0x69: {  	v2 =	vld [tilespmem:s8+$0x12050];
	[tilespmem:s8+$0x6040] =	vst v7;
	v6 =	vadd.f32 v6, v63  }
0x6a: {  	s6 =	simm.s32 $0x8000;
	[tilespmem:s8+$0xC040] =	vst v1;
	v1 =	vld [tilespmem:s8+$0x18060]  }
0x6b: {  	s3 =	simm.s32 $0x2000;
	s16 =	simm.s32 $0x400;
	s15 =	simm.s32 $0x0;
	[tilespmem:s8+$0x12040] =	vst v6;
	v6 =	vadd.f32 v4, v0;
	v4 =	vld [tilespmem:s8+$0x60]  }
.LBB2_3:
0x6c: {  	s17 =	sand.u32 $0x1C00, s16;
	v5 =	vadd.f32 v5, v0;
	v7 =	vld [tilespmem:s8+$0x6060];
	s12 =	sadd.s32 $0x10, s12  }
0x6d: {  	s15 =	sadd.s32 $0x8, s15;
	s19 =	sand.u32 $0x380, s12;
	s26 =	sor.u32 s17, s12;
	[tilespmem:s8+$0x50] =	vst v6;
	v3 =	vadd.f32 v3, v0;
	v6 =	vld [tilespmem:s8+$0xC060]  }
0x6e: {  	p0 =	slt.u32 s15, $0x1F8;
	s17 =	sor.u32 s19, s17;
	s19 =	sor.u32 $0x70, s26;
	[tilespmem:s8+$0x6050] =	vst v5;
	v0 =	vadd.f32 v2, v0;
	v2 =	vld [tilespmem:s8+$0x12060]  }
0x6f: {  	v5 =	vld [tilespmem:s19+$0x18000];
	[tilespmem:s8+$0xC050] =	vst v3  }
0x70: {  	v3 =	vld [tilespmem:s19+$0x12000];
	[tilespmem:s8+$0x12050] =	vst v0;
	v0 =	vadd.f32 v4, v1  }
0x71: {  	v4 =	vld [tilespmem:s19+$0x0];
	v7 =	vadd.f32 v7, v1  }
0x72: {  	v8 =	vld [tilespmem:s19+$0x6000];
	[tilespmem:s8+$0x60] =	vst v0;
	v0 =	vadd.f32 v6, v1  }
0x73: {  	v6 =	vld [tilespmem:s19+$0xC000];
	[tilespmem:s8+$0x6060] =	vst v7;
	v1 =	vadd.f32 v2, v1  }
0x74: {  	v2 =	vld [tilespmem:s17+$0x18000];
	[tilespmem:s8+$0xC060] =	vst v0  }
0x75: {  	v0 =	vld [tilespmem:s17+$0x0];
	v3 =	vadd.f32 v3, v5;
	[tilespmem:s8+$0x12060] =	vst v1;
	s8 =	smov.u32 s17  }
0x76: {  	v1 =	vld [tilespmem:s8+$0x6000];
	v4 =	vadd.f32 v4, v5  }
0x77: {  	v7 =	vld [tilespmem:s8+$0xC000];
	v8 =	vadd.f32 v8, v5;
	[tilespmem:s19+$0x12000] =	vst v3  }
0x78: {  	v3 =	vld [tilespmem:s8+$0x12000];
	[tilespmem:s19+$0x0] =	vst v4;
	v4 =	vadd.f32 v6, v5  }
0x79: {  	v5 =	vld [tilespmem:s8+$0x18010];
	[tilespmem:s19+$0x6000] =	vst v8  }
0x7a: {  	v0 =	vadd.f32 v0, v2;
	v6 =	vld [tilespmem:s8+$0x10];
	[tilespmem:s19+$0xC000] =	vst v4  }
0x7b: {  	v1 =	vadd.f32 v1, v2;
	v4 =	vld [tilespmem:s8+$0x6010]  }
0x7c: {  	[tilespmem:s8+$0x0] =	vst v0;
	v0 =	vadd.f32 v7, v2;
	v7 =	vld [tilespmem:s8+$0xC010]  }
0x7d: {  	[tilespmem:s8+$0x6000] =	vst v1;
	v1 =	vadd.f32 v3, v2;
	v2 =	vld [tilespmem:s8+$0x12010]  }
0x7e: {  	[tilespmem:s8+$0xC000] =	vst v0;
	v0 =	vld [tilespmem:s8+$0x18020]  }
0x7f: {  	[tilespmem:s8+$0x12000] =	vst v1;
	v1 =	vadd.f32 v6, v5;
	v3 =	vld [tilespmem:s8+$0x20]  }
0x80: {  	v4 =	vadd.f32 v4, v5;
	v6 =	vld [tilespmem:s8+$0x6020]  }
0x81: {  	[tilespmem:s8+$0x10] =	vst v1;
	v1 =	vadd.f32 v7, v5;
	v7 =	vld [tilespmem:s8+$0xC020]  }
0x82: {  	[tilespmem:s8+$0x6010] =	vst v4;
	v2 =	vadd.f32 v2, v5;
	v4 =	vld [tilespmem:s8+$0x12020]  }
0x83: {  	[tilespmem:s8+$0xC010] =	vst v1;
	v1 =	vld [tilespmem:s8+$0x18030]  }
0x84: {  	[tilespmem:s8+$0x12010] =	vst v2;
	v2 =	vadd.f32 v3, v0;
	v3 =	vld [tilespmem:s8+$0x30]  }
0x85: {  	v5 =	vadd.f32 v6, v0;
	v6 =	vld [tilespmem:s8+$0x6030]  }
0x86: {  	[tilespmem:s8+$0x20] =	vst v2;
	v2 =	vadd.f32 v7, v0;
	v7 =	vld [tilespmem:s8+$0xC030]  }
0x87: {  	[tilespmem:s8+$0x6020] =	vst v5;
	v0 =	vadd.f32 v4, v0;
	v4 =	vld [tilespmem:s8+$0x12030]  }
0x88: {  	[tilespmem:s8+$0xC020] =	vst v2;
	v2 =	vld [tilespmem:s8+$0x18040]  }
0x89: {  	[tilespmem:s8+$0x12020] =	vst v0;
	v0 =	vadd.f32 v3, v1;
	v3 =	vld [tilespmem:s8+$0x40]  }
0x8a: {  	v5 =	vadd.f32 v6, v1;
	v6 =	vld [tilespmem:s8+$0x6040]  }
0x8b: {  	[tilespmem:s8+$0x30] =	vst v0;
	v0 =	vadd.f32 v7, v1;
	v7 =	vld [tilespmem:s8+$0xC040]  }
0x8c: {  	[tilespmem:s8+$0x6030] =	vst v5;
	v1 =	vadd.f32 v4, v1;
	v4 =	vld [tilespmem:s8+$0x12040]  }
0x8d: {  	[tilespmem:s8+$0xC030] =	vst v0;
	v0 =	vld [tilespmem:s8+$0x18050]  }
0x8e: {  	[tilespmem:s8+$0x12030] =	vst v1;
	v1 =	vadd.f32 v3, v2;
	v8 =	vld [tilespmem:s8+$0x50]  }
.Ltmp0:
0x8f: {  	v6 =	vadd.f32 v6, v2;
	v5 =	vld [tilespmem:s8+$0x6050];
	(pc) =	sbr.rel @p0 .LBB2_3-.Ltmp0, $4  }
0x90: {  	[tilespmem:s8+$0x40] =	vst v1;
	v1 =	vadd.f32 v7, v2;
	v3 =	vld [tilespmem:s8+$0xC050]  }
0x91: {  	[tilespmem:s8+$0x6040] =	vst v6;
	v4 =	vadd.f32 v4, v2;
	v2 =	vld [tilespmem:s8+$0x12050]  }
0x92: {  	[tilespmem:s8+$0xC040] =	vst v1;
	v1 =	vld [tilespmem:s8+$0x18060]  }
0x93: {  	s16 =	sadd.s32 $0x400, s16;
	[tilespmem:s8+$0x12040] =	vst v4;
	v6 =	vadd.f32 v8, v0;
	v4 =	vld [tilespmem:s8+$0x60]  }
0x94: {  	v7 =	vld [tilespmem:s8+$0x6060]  }
0x95: {  	v5 =	vadd.f32 v5, v0  }
0x96: {  	[tilespmem:s8+$0x50] =	vst v6;
	v3 =	vadd.f32 v3, v0  }
0x97: {  	v8 =	vld [tilespmem:s8+$0xC060];
	[tilespmem:s8+$0x6050] =	vst v5;
	v0 =	vadd.f32 v2, v0  }
0x98: {  	v6 =	vld [tilespmem:s8+$0x12060];
	[tilespmem:s8+$0xC050] =	vst v3;
	v2 =	vadd.f32 v4, v1  }
0x99: {  	[tilespmem:s8+$0x12050] =	vst v0;
	v0 =	vadd.f32 v7, v1  }
0x9a: {  	[tilespmem:s8+$0x60] =	vst v2  }
0x9b: {  	s12 =	smul.u32 $0x18, s11;
	[tilespmem:s8+$0x6060] =	vst v0  }
0x9c: {  	v2 =	vadd.f32 v8, v1;
	s15 =	rddreg [dreg:$0x4]  }
0x9d: {  	v0 =	vadd.f32 v6, v1;
	s15 =	sadd.s32 s15, s12  }
0x9e: {  	[tilespmem:s8+$0xC060] =	vst v2;
	s15 =	sshll.u32 s15, $0x7  }
0x9f: {  	[tilespmem:s8+$0x12060] =	vst v0;
	s19 =	sadd.s32 s4, s15  }
0xa0: {  	[hbm4b:s19+s5] =	stream.linear.scatter [tilespmem:s5], [sflag:$0x7], $0x2000, $0x38;
	[tilespmem:$0x1E000] =	vst v63  }
0xa1: {  	s16 =	simm.s32 $0x6000;
	s20 =	sadd.s32 s15, s30  }
0xa2: {  	[hbm4b:s20+s5] =	stream.linear.scatter [tilespmem:s16], [sflag:$0x7], $0x2000, $0x38;
	[tilespmem:$0x1E000] =	vst v63  }
0xa3: {  	s26 =	simm.s32 $0xC000;
	p0 =	seq.s32 s11, $0x0;
	s21 =	sadd.s32 s15, s31  }
0xa4: {  	[hbm4b:s21+s5] =	stream.linear.scatter [tilespmem:s26], [sflag:$0x7], $0x2000, $0x38;
	[tilespmem:$0x1E000] =	vst v63  }
0xa5: {  	s8 =	simm.s32 @!p0 $0x9;
	s15 =	sadd.s32 s15, s0;
	s16 =	simm.s32 $0x12000  }
0xa6: {  	[hbm4b:s15+s5] =	stream.linear.scatter [tilespmem:s16], [sflag:$0x7], $0x2000, $0x38;
	[tilespmem:$0x1E000] =	vst v63  }
0xa7: {  	_ =	swait.ge @!p0 [sflag:s8], $0x2000  }
0xa8: {  	[sflag:s8] =	ssyncset.done @!p0 $0x0  }
0xa9: {  	[sflag:s8] =	ssyncadd.s32 @!p0 $0xFFFFE000  }
0xaa: {  	_ =	swait.ge @!p0 [sflag:s8], $0x2000  }
0xab: {  	[sflag:s8] =	ssyncset.done @!p0 $0x0  }
0xac: {  	[sflag:s8] =	ssyncadd.s32 @!p0 $0xFFFFE000  }
0xad: {  	_ =	swait.ge @!p0 [sflag:s8], $0x2000  }
0xae: {  	[sflag:s8] =	ssyncset.done @!p0 $0x0  }
0xaf: {  	[sflag:s8] =	ssyncadd.s32 @!p0 $0xFFFFE000  }
0xb0: {  	_ =	swait.ge @!p0 [sflag:s8], $0x2000  }
0xb1: {  	s17 =	rddreg [dreg:$0x18];
	[sflag:s8] =	ssyncset.done @!p0 $0x0  }
0xb2: {  	s15 =	sadd.s32 s12, s17;
	[sflag:s8] =	ssyncadd.s32 @!p0 $0xFFFFE000  }
0xb3: {  	s26 =	sshll.u32 s15, $0x7;
	s8 =	rddreg [dreg:$0x1]  }
0xb4: {  	s19 =	simm.s32 $0x1C000;
	s15 =	simm.s32 $0x0;
	s8 =	sadd.s32 s8, s26  }
0xb5: {  	[tilespmem:s19], [sflag:$0x6] =	stream.linear.gather [hbm4b:s8+s15], $0x2000, $0x38;
	[tilespmem:$0x1E000] =	vst v63  }
0xb6: {  	s20 =	sadd.s32 s2, s26;
	s28 =	sadd.s32 $0x100000, s26  }
0xb7: {  	[tilespmem:s22], [sflag:$0x3] =	stream.linear.gather [hbm4b:s20+s15], $0x2000, $0x38;
	[tilespmem:$0x1E000] =	vst v63  }
0xb8: {  	s29 =	sor.u32 $0x200000, s26;
	s21 =	sadd.s32 s2, s28;
	s22 =	simm.s32 $0xA000  }
0xb9: {  	[tilespmem:s22], [sflag:$0x3] =	stream.linear.gather [hbm4b:s21+s15], $0x2000, $0x38;
	[tilespmem:$0x1E000] =	vst v63  }
0xba: {  	s17 =	sadd.s32 s2, s29;
	s19 =	simm.s32 $0x10000;
	s8 =	sadd.s32 $0x300000, s26  }
0xbb: {  	[tilespmem:s19], [sflag:$0x3] =	stream.linear.gather [hbm4b:s17+s15], $0x2000, $0x38;
	[tilespmem:$0x1E000] =	vst v63  }
0xbc: {  	s20 =	sadd.s32 s2, s8;
	s17 =	simm.s32 $0x16000  }
0xbd: {  	[tilespmem:s17], [sflag:$0x3] =	stream.linear.gather [hbm4b:s20+s15], $0x2000, $0x38;
	[tilespmem:$0x1E000] =	vst v63  }
0xbe: {  	_ =	swait.ge [sflag:s25], $0x2000  }
0xbf: {  	[sflag:s25] =	ssyncset.done $0x0  }
0xc0: {  	[sflag:s25] =	ssyncadd.s32 $0xFFFFE000  }
0xc1: {  	_ =	swait.ge [sflag:s14], $0x2000  }
0xc2: {  	[sflag:s14] =	ssyncset.done $0x0  }
0xc3: {  	[sflag:s14] =	ssyncadd.s32 $0xFFFFE000  }
0xc4: {  	_ =	swait.ge [sflag:s14], $0x2000  }
0xc5: {  	[sflag:s14] =	ssyncset.done $0x0  }
0xc6: {  	[sflag:s14] =	ssyncadd.s32 $0xFFFFE000  }
0xc7: {  	_ =	swait.ge [sflag:s14], $0x2000  }
0xc8: {  	[sflag:s14] =	ssyncset.done $0x0  }
0xc9: {  	[sflag:s14] =	ssyncadd.s32 $0xFFFFE000  }
0xca: {  	s21 =	sand.u32 $0x1C00, s15;
	_ =	swait.ge [sflag:s14], $0x2000  }
0xcb: {  	s22 =	sor.u32 s21, s15;
	[sflag:s14] =	ssyncset.done $0x0  }
0xcc: {  	s17 =	sor.u32 $0x70, s22;
	[sflag:s14] =	ssyncadd.s32 $0xFFFFE000  }
0xcd: {  	v0 =	vld [tilespmem:s17+$0x1A000]  }
0xce: {  	v1 =	vld [tilespmem:s17+$0x14000]  }
0xcf: {  	v2 =	vld [tilespmem:s17+$0x2000]  }
0xd0: {  	s19 =	sand.u32 $0x380, s15;
	v3 =	vld [tilespmem:s17+$0x8000]  }
0xd1: {  	s16 =	sor.u32 s19, s21;
	v4 =	vld [tilespmem:s17+$0xE000]  }
0xd2: {  	v5 =	vld [tilespmem:s16+$0x1A000]  }
0xd3: {  	v6 =	vld [tilespmem:s16+$0x2000]  }
0xd4: {  	v7 =	vld [tilespmem:s16+$0x8000]  }
0xd5: {  	v8 =	vld [tilespmem:s16+$0xE000]  }
0xd6: {  	v9 =	vld [tilespmem:s16+$0x14000]  }
0xd7: {  	v10 =	vld [tilespmem:s16+$0x1A010]  }
0xd8: {  	v11 =	vld [tilespmem:s16+$0x2010];
	v1 =	vadd.f32 v1, v0  }
0xd9: {  	v12 =	vld [tilespmem:s16+$0x8010];
	v2 =	vadd.f32 v2, v0  }
0xda: {  	v62 =	vld [tilespmem:s16+$0x1A030];
	v3 =	vadd.f32 v3, v0;
	[tilespmem:s17+$0x14000] =	vst v1  }
0xdb: {  	v63 =	vld [tilespmem:s16+$0x1A040];
	v0 =	vadd.f32 v4, v0;
	[tilespmem:s17+$0x2000] =	vst v2  }
0xdc: {  	v4 =	vld [tilespmem:s16+$0x1A020];
	[tilespmem:s17+$0x8000] =	vst v3;
	v3 =	vadd.f32 v6, v5  }
0xdd: {  	v1 =	vld [tilespmem:s16+$0xE010];
	[tilespmem:s17+$0xE000] =	vst v0;
	v0 =	vadd.f32 v7, v5  }
0xde: {  	v2 =	vld [tilespmem:s16+$0x14010];
	[tilespmem:s16+$0x2000] =	vst v3;
	v3 =	vadd.f32 v8, v5  }
0xdf: {  	v6 =	vld [tilespmem:s16+$0x2020];
	[tilespmem:s16+$0x8000] =	vst v0;
	v0 =	vadd.f32 v9, v5  }
0xe0: {  	v7 =	vld [tilespmem:s16+$0x8020];
	[tilespmem:s16+$0xE000] =	vst v3;
	v3 =	vadd.f32 v11, v10  }
0xe1: {  	v5 =	vld [tilespmem:s16+$0xE020];
	[tilespmem:s16+$0x14000] =	vst v0;
	v0 =	vadd.f32 v12, v10  }
0xe2: {  	v8 =	vld [tilespmem:s16+$0x14020];
	v1 =	vadd.f32 v1, v10;
	[tilespmem:s16+$0x2010] =	vst v3  }
0xe3: {  	v3 =	vld [tilespmem:s16+$0x2030];
	[tilespmem:s16+$0x8010] =	vst v0;
	v0 =	vadd.f32 v2, v10  }
0xe4: {  	v2 =	vld [tilespmem:s16+$0x8030];
	[tilespmem:s16+$0xE010] =	vst v1;
	v1 =	vadd.f32 v6, v4  }
0xe5: {  	v6 =	vld [tilespmem:s16+$0xE030];
	[tilespmem:s16+$0x14010] =	vst v0;
	v0 =	vadd.f32 v7, v4  }
0xe6: {  	v7 =	vld [tilespmem:s16+$0x14030];
	[tilespmem:s16+$0x2020] =	vst v1;
	v1 =	vadd.f32 v5, v4  }
0xe7: {  	[tilespmem:s16+$0x8020] =	vst v0;
	v0 =	vadd.f32 v8, v4;
	v4 =	vld [tilespmem:s16+$0x2040]  }
0xe8: {  	[tilespmem:s16+$0xE020] =	vst v1;
	v1 =	vadd.f32 v3, v62;
	v3 =	vld [tilespmem:s16+$0x8040]  }
0xe9: {  	[tilespmem:s16+$0x14020] =	vst v0;
	v0 =	vadd.f32 v2, v62;
	v2 =	vld [tilespmem:s16+$0xE040]  }
0xea: {  	[tilespmem:s16+$0x2030] =	vst v1;
	v1 =	vadd.f32 v6, v62;
	v6 =	vld [tilespmem:s16+$0x14040]  }
0xeb: {  	v5 =	vadd.f32 v7, v62;
	[tilespmem:s16+$0x8030] =	vst v0;
	v0 =	vld [tilespmem:s16+$0x1A050]  }
0xec: {  	[tilespmem:s16+$0xE030] =	vst v1;
	v1 =	vadd.f32 v4, v63;
	v4 =	vld [tilespmem:s16+$0x2050]  }
0xed: {  	[tilespmem:s16+$0x14030] =	vst v5;
	v5 =	vld [tilespmem:s16+$0x8050];
	v7 =	vadd.f32 v3, v63  }
0xee: {  	v3 =	vld [tilespmem:s16+$0xE050];
	[tilespmem:s16+$0x2040] =	vst v1;
	v1 =	vadd.f32 v2, v63  }
0xef: {  	v2 =	vld [tilespmem:s16+$0x14050];
	[tilespmem:s16+$0x8040] =	vst v7;
	v6 =	vadd.f32 v6, v63  }
0xf0: {  	[tilespmem:s16+$0xE040] =	vst v1;
	v1 =	vld [tilespmem:s16+$0x1A060]  }
0xf1: {  	s19 =	simm.s32 $0x400;
	s17 =	simm.s32 $0x0;
	[tilespmem:s16+$0x14040] =	vst v6;
	v6 =	vadd.f32 v4, v0;
	v4 =	vld [tilespmem:s16+$0x2060]  }
.LBB2_5:
0xf2: {  	s20 =	sand.u32 $0x1C00, s19;
	v5 =	vadd.f32 v5, v0;
	v7 =	vld [tilespmem:s16+$0x8060];
	s15 =	sadd.s32 $0x10, s15  }
0xf3: {  	s17 =	sadd.s32 $0x8, s17;
	s21 =	sand.u32 $0x380, s15;
	s22 =	sor.u32 s20, s15;
	[tilespmem:s16+$0x2050] =	vst v6;
	v3 =	vadd.f32 v3, v0;
	v6 =	vld [tilespmem:s16+$0xE060]  }
0xf4: {  	p0 =	slt.u32 s17, $0x1F8;
	s20 =	sor.u32 s21, s20;
	s21 =	sor.u32 $0x70, s22;
	[tilespmem:s16+$0x8050] =	vst v5;
	v0 =	vadd.f32 v2, v0;
	v2 =	vld [tilespmem:s16+$0x14060]  }
0xf5: {  	v5 =	vld [tilespmem:s21+$0x1A000];
	[tilespmem:s16+$0xE050] =	vst v3  }
0xf6: {  	v3 =	vld [tilespmem:s21+$0x14000];
	[tilespmem:s16+$0x14050] =	vst v0;
	v0 =	vadd.f32 v4, v1  }
0xf7: {  	v4 =	vld [tilespmem:s21+$0x2000];
	v7 =	vadd.f32 v7, v1  }
0xf8: {  	v8 =	vld [tilespmem:s21+$0x8000];
	[tilespmem:s16+$0x2060] =	vst v0;
	v0 =	vadd.f32 v6, v1  }
0xf9: {  	v6 =	vld [tilespmem:s21+$0xE000];
	[tilespmem:s16+$0x8060] =	vst v7;
	v1 =	vadd.f32 v2, v1  }
0xfa: {  	v2 =	vld [tilespmem:s20+$0x1A000];
	[tilespmem:s16+$0xE060] =	vst v0  }
0xfb: {  	v0 =	vld [tilespmem:s20+$0x2000];
	v3 =	vadd.f32 v3, v5;
	[tilespmem:s16+$0x14060] =	vst v1;
	s16 =	smov.u32 s20  }
0xfc: {  	v1 =	vld [tilespmem:s16+$0x8000];
	v4 =	vadd.f32 v4, v5  }
0xfd: {  	v7 =	vld [tilespmem:s16+$0xE000];
	v8 =	vadd.f32 v8, v5;
	[tilespmem:s21+$0x14000] =	vst v3  }
0xfe: {  	v3 =	vld [tilespmem:s16+$0x14000];
	[tilespmem:s21+$0x2000] =	vst v4;
	v4 =	vadd.f32 v6, v5  }
0xff: {  	v5 =	vld [tilespmem:s16+$0x1A010];
	[tilespmem:s21+$0x8000] =	vst v8  }
0x100: {  	v0 =	vadd.f32 v0, v2;
	v6 =	vld [tilespmem:s16+$0x2010];
	[tilespmem:s21+$0xE000] =	vst v4  }
0x101: {  	v1 =	vadd.f32 v1, v2;
	v4 =	vld [tilespmem:s16+$0x8010]  }
0x102: {  	[tilespmem:s16+$0x2000] =	vst v0;
	v0 =	vadd.f32 v7, v2;
	v7 =	vld [tilespmem:s16+$0xE010]  }
0x103: {  	[tilespmem:s16+$0x8000] =	vst v1;
	v1 =	vadd.f32 v3, v2;
	v2 =	vld [tilespmem:s16+$0x14010]  }
0x104: {  	[tilespmem:s16+$0xE000] =	vst v0;
	v0 =	vld [tilespmem:s16+$0x1A020]  }
0x105: {  	[tilespmem:s16+$0x14000] =	vst v1;
	v1 =	vadd.f32 v6, v5;
	v3 =	vld [tilespmem:s16+$0x2020]  }
0x106: {  	v4 =	vadd.f32 v4, v5;
	v6 =	vld [tilespmem:s16+$0x8020]  }
0x107: {  	[tilespmem:s16+$0x2010] =	vst v1;
	v1 =	vadd.f32 v7, v5;
	v7 =	vld [tilespmem:s16+$0xE020]  }
0x108: {  	[tilespmem:s16+$0x8010] =	vst v4;
	v2 =	vadd.f32 v2, v5;
	v4 =	vld [tilespmem:s16+$0x14020]  }
0x109: {  	[tilespmem:s16+$0xE010] =	vst v1;
	v1 =	vld [tilespmem:s16+$0x1A030]  }
0x10a: {  	[tilespmem:s16+$0x14010] =	vst v2;
	v2 =	vadd.f32 v3, v0;
	v3 =	vld [tilespmem:s16+$0x2030]  }
0x10b: {  	v5 =	vadd.f32 v6, v0;
	v6 =	vld [tilespmem:s16+$0x8030]  }
0x10c: {  	[tilespmem:s16+$0x2020] =	vst v2;
	v2 =	vadd.f32 v7, v0;
	v7 =	vld [tilespmem:s16+$0xE030]  }
0x10d: {  	[tilespmem:s16+$0x8020] =	vst v5;
	v0 =	vadd.f32 v4, v0;
	v4 =	vld [tilespmem:s16+$0x14030]  }
0x10e: {  	[tilespmem:s16+$0xE020] =	vst v2;
	v2 =	vld [tilespmem:s16+$0x1A040]  }
0x10f: {  	[tilespmem:s16+$0x14020] =	vst v0;
	v0 =	vadd.f32 v3, v1;
	v3 =	vld [tilespmem:s16+$0x2040]  }
0x110: {  	v5 =	vadd.f32 v6, v1;
	v6 =	vld [tilespmem:s16+$0x8040]  }
0x111: {  	[tilespmem:s16+$0x2030] =	vst v0;
	v0 =	vadd.f32 v7, v1;
	v7 =	vld [tilespmem:s16+$0xE040]  }
0x112: {  	[tilespmem:s16+$0x8030] =	vst v5;
	v1 =	vadd.f32 v4, v1;
	v4 =	vld [tilespmem:s16+$0x14040]  }
0x113: {  	[tilespmem:s16+$0xE030] =	vst v0;
	v0 =	vld [tilespmem:s16+$0x1A050]  }
0x114: {  	[tilespmem:s16+$0x14030] =	vst v1;
	v1 =	vadd.f32 v3, v2;
	v8 =	vld [tilespmem:s16+$0x2050]  }
.Ltmp1:
0x115: {  	v6 =	vadd.f32 v6, v2;
	v5 =	vld [tilespmem:s16+$0x8050];
	(pc) =	sbr.rel @p0 .LBB2_5-.Ltmp1, $4  }
0x116: {  	[tilespmem:s16+$0x2040] =	vst v1;
	v1 =	vadd.f32 v7, v2;
	v3 =	vld [tilespmem:s16+$0xE050]  }
0x117: {  	[tilespmem:s16+$0x8040] =	vst v6;
	v4 =	vadd.f32 v4, v2;
	v2 =	vld [tilespmem:s16+$0x14050]  }
0x118: {  	[tilespmem:s16+$0xE040] =	vst v1;
	v1 =	vld [tilespmem:s16+$0x1A060]  }
0x119: {  	s19 =	sadd.s32 $0x400, s19;
	[tilespmem:s16+$0x14040] =	vst v4;
	v6 =	vadd.f32 v8, v0;
	v4 =	vld [tilespmem:s16+$0x2060]  }
0x11a: {  	v7 =	vld [tilespmem:s16+$0x8060]  }
0x11b: {  	v5 =	vadd.f32 v5, v0  }
0x11c: {  	[tilespmem:s16+$0x2050] =	vst v6;
	v3 =	vadd.f32 v3, v0  }
0x11d: {  	v8 =	vld [tilespmem:s16+$0xE060];
	[tilespmem:s16+$0x8050] =	vst v5;
	v0 =	vadd.f32 v2, v0  }
0x11e: {  	v6 =	vld [tilespmem:s16+$0x14060];
	[tilespmem:s16+$0xE050] =	vst v3;
	v2 =	vadd.f32 v4, v1  }
0x11f: {  	[tilespmem:s16+$0x14050] =	vst v0;
	v0 =	vadd.f32 v7, v1  }
0x120: {  	[tilespmem:s16+$0x2060] =	vst v2  }
0x121: {  	[tilespmem:s16+$0x8060] =	vst v0  }
0x122: {  	v2 =	vadd.f32 v8, v1;
	s15 =	rddreg [dreg:$0x19]  }
0x123: {  	v0 =	vadd.f32 v6, v1;
	s15 =	sadd.s32 s12, s15  }
0x124: {  	[tilespmem:s16+$0xE060] =	vst v2;
	s17 =	sshll.u32 s15, $0x7  }
0x125: {  	[tilespmem:s16+$0x14060] =	vst v0;
	s15 =	simm.s32 $0x0;
	s21 =	sadd.s32 s4, s17  }
0x126: {  	[hbm4b:s21+s15] =	stream.linear.scatter [tilespmem:s3], [sflag:$0x8], $0x2000, $0x38;
	[tilespmem:$0x1E000] =	vst v63  }
0x127: {  	s22 =	sadd.s32 s17, s30  }
0x128: {  	[hbm4b:s22+s15] =	stream.linear.scatter [tilespmem:s6], [sflag:$0x8], $0x2000, $0x38;
	[tilespmem:$0x1E000] =	vst v63  }
0x129: {  	s3 =	sadd.s32 s17, s31;
	s6 =	simm.s32 $0xE000  }
0x12a: {  	[hbm4b:s3+s15] =	stream.linear.scatter [tilespmem:s6], [sflag:$0x8], $0x2000, $0x38;
	[tilespmem:$0x1E000] =	vst v63  }
0x12b: {  	s19 =	sadd.s32 s17, s0  }
0x12c: {  	[hbm4b:s19+s15] =	stream.linear.scatter [tilespmem:s23], [sflag:$0x8], $0x2000, $0x38;
	[tilespmem:$0x1E000] =	vst v63  }
0x12d: {  	_ =	swait.ge [sflag:s18], $0x2000  }
0x12e: {  	[sflag:s18] =	ssyncset.done $0x0  }
0x12f: {  	[sflag:s18] =	ssyncadd.s32 $0xFFFFE000  }
0x130: {  	_ =	swait.ge [sflag:s18], $0x2000  }
0x131: {  	[sflag:s18] =	ssyncset.done $0x0  }
0x132: {  	[sflag:s18] =	ssyncadd.s32 $0xFFFFE000  }
0x133: {  	_ =	swait.ge [sflag:s18], $0x2000  }
0x134: {  	[sflag:s18] =	ssyncset.done $0x0  }
0x135: {  	[sflag:s18] =	ssyncadd.s32 $0xFFFFE000  }
0x136: {  	_ =	swait.ge [sflag:s18], $0x2000  }
0x137: {  	s20 =	rddreg [dreg:$0x1a];
	[sflag:s18] =	ssyncset.done $0x0  }
0x138: {  	s16 =	sadd.s32 s12, s20;
	[sflag:s18] =	ssyncadd.s32 $0xFFFFE000  }
0x139: {  	s16 =	sshll.u32 s16, $0x7;
	s21 =	rddreg [dreg:$0x1]  }
0x13a: {  	s19 =	simm.s32 $0x18000;
	s22 =	sadd.s32 s21, s16  }
0x13b: {  	[tilespmem:s19], [sflag:$0x4] =	stream.linear.gather [hbm4b:s22+s15], $0x2000, $0x38;
	[tilespmem:$0x1E000] =	vst v63  }
0x13c: {  	s3 =	sadd.s32 s2, s16  }
0x13d: {  	[tilespmem:s15], [sflag:$0x1] =	stream.linear.gather [hbm4b:s3+s15], $0x2000, $0x38;
	[tilespmem:$0x1E000] =	vst v63  }
0x13e: {  	s20 =	simm.s32 $0x6000;
	s19 =	sadd.s32 s16, s9  }
0x13f: {  	[tilespmem:s20], [sflag:$0x1] =	stream.linear.gather [hbm4b:s19+s15], $0x2000, $0x38;
	[tilespmem:$0x1E000] =	vst v63  }
0x140: {  	s21 =	sadd.s32 s16, s10;
	s22 =	simm.s32 $0xC000  }
0x141: {  	[tilespmem:s22], [sflag:$0x1] =	stream.linear.gather [hbm4b:s21+s15], $0x2000, $0x38;
	[tilespmem:$0x1E000] =	vst v63  }
0x142: {  	s16 =	sadd.s32 s16, s13;
	s3 =	simm.s32 $0x12000;
	s19 =	simm.s32 $0x6  }
0x143: {  	[tilespmem:s3], [sflag:$0x1] =	stream.linear.gather [hbm4b:s16+s15], $0x2000, $0x38;
	[tilespmem:$0x1E000] =	vst v63  }
0x144: {  	_ =	swait.ge [sflag:s19], $0x2000  }
0x145: {  	[sflag:s19] =	ssyncset.done $0x0  }
0x146: {  	[sflag:s19] =	ssyncadd.s32 $0xFFFFE000  }
0x147: {  	_ =	swait.ge [sflag:s1], $0x2000  }
0x148: {  	[sflag:s1] =	ssyncset.done $0x0  }
0x149: {  	[sflag:s1] =	ssyncadd.s32 $0xFFFFE000  }
0x14a: {  	_ =	swait.ge [sflag:s1], $0x2000  }
0x14b: {  	[sflag:s1] =	ssyncset.done $0x0  }
0x14c: {  	[sflag:s1] =	ssyncadd.s32 $0xFFFFE000  }
0x14d: {  	_ =	swait.ge [sflag:s1], $0x2000  }
0x14e: {  	[sflag:s1] =	ssyncset.done $0x0  }
0x14f: {  	[sflag:s1] =	ssyncadd.s32 $0xFFFFE000  }
0x150: {  	s20 =	sand.u32 $0x1C00, s15;
	_ =	swait.ge [sflag:s1], $0x2000  }
0x151: {  	s21 =	sor.u32 s20, s15;
	[sflag:s1] =	ssyncset.done $0x0  }
0x152: {  	s17 =	sor.u32 $0x70, s21;
	[sflag:s1] =	ssyncadd.s32 $0xFFFFE000  }
0x153: {  	v0 =	vld [tilespmem:s17+$0x1C000]  }
0x154: {  	v1 =	vld [tilespmem:s17+$0x16000]  }
0x155: {  	v2 =	vld [tilespmem:s17+$0x4000]  }
0x156: {  	s22 =	sand.u32 $0x380, s15;
	v3 =	vld [tilespmem:s17+$0xA000]  }
0x157: {  	s16 =	sor.u32 s22, s20;
	v4 =	vld [tilespmem:s17+$0x10000]  }
0x158: {  	v5 =	vld [tilespmem:s16+$0x1C000]  }
0x159: {  	v6 =	vld [tilespmem:s16+$0x4000]  }
0x15a: {  	v7 =	vld [tilespmem:s16+$0xA000]  }
0x15b: {  	v8 =	vld [tilespmem:s16+$0x10000]  }
0x15c: {  	v9 =	vld [tilespmem:s16+$0x16000]  }
0x15d: {  	v10 =	vld [tilespmem:s16+$0x1C010]  }
0x15e: {  	v11 =	vld [tilespmem:s16+$0x4010];
	v1 =	vadd.f32 v1, v0  }
0x15f: {  	v12 =	vld [tilespmem:s16+$0xA010];
	v2 =	vadd.f32 v2, v0  }
0x160: {  	v62 =	vld [tilespmem:s16+$0x1C030];
	v3 =	vadd.f32 v3, v0;
	[tilespmem:s17+$0x16000] =	vst v1  }
0x161: {  	v63 =	vld [tilespmem:s16+$0x1C040];
	v0 =	vadd.f32 v4, v0;
	[tilespmem:s17+$0x4000] =	vst v2  }
0x162: {  	v4 =	vld [tilespmem:s16+$0x1C020];
	[tilespmem:s17+$0xA000] =	vst v3;
	v3 =	vadd.f32 v6, v5  }
0x163: {  	v1 =	vld [tilespmem:s16+$0x10010];
	[tilespmem:s17+$0x10000] =	vst v0;
	v0 =	vadd.f32 v7, v5  }
0x164: {  	v2 =	vld [tilespmem:s16+$0x16010];
	[tilespmem:s16+$0x4000] =	vst v3;
	v3 =	vadd.f32 v8, v5  }
0x165: {  	v6 =	vld [tilespmem:s16+$0x4020];
	[tilespmem:s16+$0xA000] =	vst v0;
	v0 =	vadd.f32 v9, v5  }
0x166: {  	v7 =	vld [tilespmem:s16+$0xA020];
	[tilespmem:s16+$0x10000] =	vst v3;
	v3 =	vadd.f32 v11, v10  }
0x167: {  	v5 =	vld [tilespmem:s16+$0x10020];
	[tilespmem:s16+$0x16000] =	vst v0;
	v0 =	vadd.f32 v12, v10  }
0x168: {  	v8 =	vld [tilespmem:s16+$0x16020];
	v1 =	vadd.f32 v1, v10;
	[tilespmem:s16+$0x4010] =	vst v3  }
0x169: {  	v3 =	vld [tilespmem:s16+$0x4030];
	[tilespmem:s16+$0xA010] =	vst v0;
	v0 =	vadd.f32 v2, v10  }
0x16a: {  	v2 =	vld [tilespmem:s16+$0xA030];
	[tilespmem:s16+$0x10010] =	vst v1;
	v1 =	vadd.f32 v6, v4  }
0x16b: {  	v6 =	vld [tilespmem:s16+$0x10030];
	[tilespmem:s16+$0x16010] =	vst v0;
	v0 =	vadd.f32 v7, v4  }
0x16c: {  	v7 =	vld [tilespmem:s16+$0x16030];
	[tilespmem:s16+$0x4020] =	vst v1;
	v1 =	vadd.f32 v5, v4  }
0x16d: {  	[tilespmem:s16+$0xA020] =	vst v0;
	v0 =	vadd.f32 v8, v4;
	v4 =	vld [tilespmem:s16+$0x4040]  }
0x16e: {  	[tilespmem:s16+$0x10020] =	vst v1;
	v1 =	vadd.f32 v3, v62;
	v3 =	vld [tilespmem:s16+$0xA040]  }
0x16f: {  	[tilespmem:s16+$0x16020] =	vst v0;
	v0 =	vadd.f32 v2, v62;
	v2 =	vld [tilespmem:s16+$0x10040]  }
0x170: {  	[tilespmem:s16+$0x4030] =	vst v1;
	v1 =	vadd.f32 v6, v62;
	v6 =	vld [tilespmem:s16+$0x16040]  }
0x171: {  	v5 =	vadd.f32 v7, v62;
	[tilespmem:s16+$0xA030] =	vst v0;
	v0 =	vld [tilespmem:s16+$0x1C050]  }
0x172: {  	[tilespmem:s16+$0x10030] =	vst v1;
	v1 =	vadd.f32 v4, v63;
	v4 =	vld [tilespmem:s16+$0x4050]  }
0x173: {  	[tilespmem:s16+$0x16030] =	vst v5;
	v5 =	vld [tilespmem:s16+$0xA050];
	v7 =	vadd.f32 v3, v63  }
0x174: {  	v3 =	vld [tilespmem:s16+$0x10050];
	[tilespmem:s16+$0x4040] =	vst v1;
	v1 =	vadd.f32 v2, v63  }
0x175: {  	v2 =	vld [tilespmem:s16+$0x16050];
	[tilespmem:s16+$0xA040] =	vst v7;
	v6 =	vadd.f32 v6, v63  }
0x176: {  	[tilespmem:s16+$0x10040] =	vst v1;
	v1 =	vld [tilespmem:s16+$0x1C060]  }
0x177: {  	s19 =	simm.s32 $0x400;
	s17 =	simm.s32 $0x0;
	[tilespmem:s16+$0x16040] =	vst v6;
	v6 =	vadd.f32 v4, v0;
	v4 =	vld [tilespmem:s16+$0x4060]  }
.LBB2_7:
0x178: {  	s20 =	sand.u32 $0x1C00, s19;
	v5 =	vadd.f32 v5, v0;
	v7 =	vld [tilespmem:s16+$0xA060];
	s15 =	sadd.s32 $0x10, s15  }
0x179: {  	s17 =	sadd.s32 $0x8, s17;
	s21 =	sand.u32 $0x380, s15;
	s22 =	sor.u32 s20, s15;
	[tilespmem:s16+$0x4050] =	vst v6;
	v3 =	vadd.f32 v3, v0;
	v6 =	vld [tilespmem:s16+$0x10060]  }
0x17a: {  	p0 =	slt.u32 s17, $0x1F8;
	s20 =	sor.u32 s21, s20;
	s21 =	sor.u32 $0x70, s22;
	[tilespmem:s16+$0xA050] =	vst v5;
	v0 =	vadd.f32 v2, v0;
	v2 =	vld [tilespmem:s16+$0x16060]  }
0x17b: {  	v5 =	vld [tilespmem:s21+$0x1C000];
	[tilespmem:s16+$0x10050] =	vst v3  }
0x17c: {  	v3 =	vld [tilespmem:s21+$0x16000];
	[tilespmem:s16+$0x16050] =	vst v0;
	v0 =	vadd.f32 v4, v1  }
0x17d: {  	v4 =	vld [tilespmem:s21+$0x4000];
	v7 =	vadd.f32 v7, v1  }
0x17e: {  	v8 =	vld [tilespmem:s21+$0xA000];
	[tilespmem:s16+$0x4060] =	vst v0;
	v0 =	vadd.f32 v6, v1  }
0x17f: {  	v6 =	vld [tilespmem:s21+$0x10000];
	[tilespmem:s16+$0xA060] =	vst v7;
	v1 =	vadd.f32 v2, v1  }
0x180: {  	v2 =	vld [tilespmem:s20+$0x1C000];
	[tilespmem:s16+$0x10060] =	vst v0  }
0x181: {  	v0 =	vld [tilespmem:s20+$0x4000];
	v3 =	vadd.f32 v3, v5;
	[tilespmem:s16+$0x16060] =	vst v1;
	s16 =	smov.u32 s20  }
0x182: {  	v1 =	vld [tilespmem:s16+$0xA000];
	v4 =	vadd.f32 v4, v5  }
0x183: {  	v7 =	vld [tilespmem:s16+$0x10000];
	v8 =	vadd.f32 v8, v5;
	[tilespmem:s21+$0x16000] =	vst v3  }
0x184: {  	v3 =	vld [tilespmem:s16+$0x16000];
	[tilespmem:s21+$0x4000] =	vst v4;
	v4 =	vadd.f32 v6, v5  }
0x185: {  	v5 =	vld [tilespmem:s16+$0x1C010];
	[tilespmem:s21+$0xA000] =	vst v8  }
0x186: {  	v0 =	vadd.f32 v0, v2;
	v6 =	vld [tilespmem:s16+$0x4010];
	[tilespmem:s21+$0x10000] =	vst v4  }
0x187: {  	v1 =	vadd.f32 v1, v2;
	v4 =	vld [tilespmem:s16+$0xA010]  }
0x188: {  	[tilespmem:s16+$0x4000] =	vst v0;
	v0 =	vadd.f32 v7, v2;
	v7 =	vld [tilespmem:s16+$0x10010]  }
0x189: {  	[tilespmem:s16+$0xA000] =	vst v1;
	v1 =	vadd.f32 v3, v2;
	v2 =	vld [tilespmem:s16+$0x16010]  }
0x18a: {  	[tilespmem:s16+$0x10000] =	vst v0;
	v0 =	vld [tilespmem:s16+$0x1C020]  }
0x18b: {  	[tilespmem:s16+$0x16000] =	vst v1;
	v1 =	vadd.f32 v6, v5;
	v3 =	vld [tilespmem:s16+$0x4020]  }
0x18c: {  	v4 =	vadd.f32 v4, v5;
	v6 =	vld [tilespmem:s16+$0xA020]  }
0x18d: {  	[tilespmem:s16+$0x4010] =	vst v1;
	v1 =	vadd.f32 v7, v5;
	v7 =	vld [tilespmem:s16+$0x10020]  }
0x18e: {  	[tilespmem:s16+$0xA010] =	vst v4;
	v2 =	vadd.f32 v2, v5;
	v4 =	vld [tilespmem:s16+$0x16020]  }
0x18f: {  	[tilespmem:s16+$0x10010] =	vst v1;
	v1 =	vld [tilespmem:s16+$0x1C030]  }
0x190: {  	[tilespmem:s16+$0x16010] =	vst v2;
	v2 =	vadd.f32 v3, v0;
	v3 =	vld [tilespmem:s16+$0x4030]  }
0x191: {  	v5 =	vadd.f32 v6, v0;
	v6 =	vld [tilespmem:s16+$0xA030]  }
0x192: {  	[tilespmem:s16+$0x4020] =	vst v2;
	v2 =	vadd.f32 v7, v0;
	v7 =	vld [tilespmem:s16+$0x10030]  }
0x193: {  	[tilespmem:s16+$0xA020] =	vst v5;
	v0 =	vadd.f32 v4, v0;
	v4 =	vld [tilespmem:s16+$0x16030]  }
0x194: {  	[tilespmem:s16+$0x10020] =	vst v2;
	v2 =	vld [tilespmem:s16+$0x1C040]  }
0x195: {  	[tilespmem:s16+$0x16020] =	vst v0;
	v0 =	vadd.f32 v3, v1;
	v3 =	vld [tilespmem:s16+$0x4040]  }
0x196: {  	v5 =	vadd.f32 v6, v1;
	v6 =	vld [tilespmem:s16+$0xA040]  }
0x197: {  	[tilespmem:s16+$0x4030] =	vst v0;
	v0 =	vadd.f32 v7, v1;
	v7 =	vld [tilespmem:s16+$0x10040]  }
0x198: {  	[tilespmem:s16+$0xA030] =	vst v5;
	v1 =	vadd.f32 v4, v1;
	v4 =	vld [tilespmem:s16+$0x16040]  }
0x199: {  	[tilespmem:s16+$0x10030] =	vst v0;
	v0 =	vld [tilespmem:s16+$0x1C050]  }
0x19a: {  	[tilespmem:s16+$0x16030] =	vst v1;
	v1 =	vadd.f32 v3, v2;
	v8 =	vld [tilespmem:s16+$0x4050]  }
.Ltmp2:
0x19b: {  	v6 =	vadd.f32 v6, v2;
	v5 =	vld [tilespmem:s16+$0xA050];
	(pc) =	sbr.rel @p0 .LBB2_7-.Ltmp2, $4  }
0x19c: {  	[tilespmem:s16+$0x4040] =	vst v1;
	v1 =	vadd.f32 v7, v2;
	v3 =	vld [tilespmem:s16+$0x10050]  }
0x19d: {  	[tilespmem:s16+$0xA040] =	vst v6;
	v4 =	vadd.f32 v4, v2;
	v2 =	vld [tilespmem:s16+$0x16050]  }
0x19e: {  	[tilespmem:s16+$0x10040] =	vst v1;
	v1 =	vld [tilespmem:s16+$0x1C060]  }
0x19f: {  	s19 =	sadd.s32 $0x400, s19;
	[tilespmem:s16+$0x16040] =	vst v4;
	v6 =	vadd.f32 v8, v0;
	v4 =	vld [tilespmem:s16+$0x4060]  }
0x1a0: {  	v7 =	vld [tilespmem:s16+$0xA060]  }
0x1a1: {  	v5 =	vadd.f32 v5, v0;
	v8 =	vld [tilespmem:s16+$0x10060]  }
0x1a2: {  	v58 =	vld [tilespmem:s16+$0x16060];
	[tilespmem:s16+$0x4050] =	vst v6;
	v3 =	vadd.f32 v3, v0  }
0x1a3: {  	[tilespmem:s16+$0xA050] =	vst v5;
	v59 =	vadd.f32 v2, v0  }
0x1a4: {  	[tilespmem:s16+$0x10050] =	vst v3;
	v60 =	vadd.f32 v4, v1  }
0x1a5: {  	[tilespmem:s16+$0x16050] =	vst v59;
	v61 =	vadd.f32 v7, v1  }
0x1a6: {  	v62 =	vadd.f32 v8, v1;
	[tilespmem:s16+$0x4060] =	vst v60  }
0x1a7: {  	v63 =	vadd.f32 v58, v1;
	[tilespmem:s16+$0xA060] =	vst v61  }
0x1a8: {  	[tilespmem:s16+$0x10060] =	vst v62  }
0x1a9: {  	s15 =	sadd.s32 s4, s26;
	s22 =	simm.s32 $0x4000;
	[tilespmem:s16+$0x16060] =	vst v63  }
0x1aa: {  	[hbm4b:s15+s5] =	stream.linear.scatter [tilespmem:s22], [sflag:$0x9], $0x2000, $0x38;
	[tilespmem:$0x1E000] =	vst v63  }
0x1ab: {  	s26 =	sadd.s32 s4, s28;
	s3 =	simm.s32 $0xA000  }
0x1ac: {  	[hbm4b:s26+s5] =	stream.linear.scatter [tilespmem:s3], [sflag:$0x9], $0x2000, $0x38;
	[tilespmem:$0x1E000] =	vst v63  }
0x1ad: {  	s28 =	sadd.s32 s4, s29;
	s29 =	simm.s32 $0x10000  }
0x1ae: {  	[hbm4b:s28+s5] =	stream.linear.scatter [tilespmem:s29], [sflag:$0x9], $0x2000, $0x38;
	[tilespmem:$0x1E000] =	vst v63  }
0x1af: {  	s8 =	sadd.s32 s4, s8;
	s16 =	simm.s32 $0x16000  }
0x1b0: {  	[hbm4b:s8+s5] =	stream.linear.scatter [tilespmem:s16], [sflag:$0x9], $0x2000, $0x38;
	[tilespmem:$0x1E000] =	vst v63  }
0x1b1: {  	_ =	swait.ge [sflag:s7], $0x2000  }
0x1b2: {  	[sflag:s7] =	ssyncset.done $0x0  }
0x1b3: {  	[sflag:s7] =	ssyncadd.s32 $0xFFFFE000  }
0x1b4: {  	_ =	swait.ge [sflag:s7], $0x2000  }
0x1b5: {  	[sflag:s7] =	ssyncset.done $0x0  }
0x1b6: {  	[sflag:s7] =	ssyncadd.s32 $0xFFFFE000  }
0x1b7: {  	_ =	swait.ge [sflag:s7], $0x2000  }
0x1b8: {  	[sflag:s7] =	ssyncset.done $0x0  }
0x1b9: {  	[sflag:s7] =	ssyncadd.s32 $0xFFFFE000  }
0x1ba: {  	_ =	swait.ge [sflag:s7], $0x2000  }
0x1bb: {  	s17 =	rddreg [dreg:$0x1b];
	[sflag:s7] =	ssyncset.done $0x0  }
0x1bc: {  	s8 =	sadd.s32 s12, s17;
	[sflag:s7] =	ssyncadd.s32 $0xFFFFE000  }
0x1bd: {  	s8 =	sshll.u32 s8, $0x7;
	s19 =	rddreg [dreg:$0x1]  }
0x1be: {  	s21 =	simm.s32 $0x1A000;
	s20 =	sadd.s32 s19, s8  }
0x1bf: {  	[tilespmem:s21], [sflag:$0x5] =	stream.linear.gather [hbm4b:s20+s5], $0x2000, $0x38;
	[tilespmem:$0x1E000] =	vst v63  }
0x1c0: {  	s11 =	sadd.s32 $0x1, s11;
	s26 =	sadd.s32 s2, s8;
	s20 =	simm.s32 $0x2000  }
0x1c1: {  	[tilespmem:s20], [sflag:$0x2] =	stream.linear.gather [hbm4b:s26+s5], $0x2000, $0x38;
	[tilespmem:$0x1E000] =	vst v63  }
0x1c2: {  	p0 =	sne.s32 s11, $0xA;
	s3 =	simm.s32 $0x8000;
	s28 =	sadd.s32 s8, s9  }
0x1c3: {  	[tilespmem:s3], [sflag:$0x2] =	stream.linear.gather [hbm4b:s28+s5], $0x2000, $0x38;
	[tilespmem:$0x1E000] =	vst v63  }
.Ltmp3:
0x1c4: {  	_ = 	snop;
	(pc) =	sbr.rel @p0 .LBB2_2-.Ltmp3, $4  }
0x1c5: {  	s29 =	sadd.s32 s8, s10  }
0x1c6: {  	[tilespmem:s6], [sflag:$0x2] =	stream.linear.gather [hbm4b:s29+s5], $0x2000, $0x38;
	[tilespmem:$0x1E000] =	vst v63  }
0x1c7: {  	s8 =	sadd.s32 s8, s13;
	s21 =	simm.s32 $0x14000  }
0x1c8: {  	[tilespmem:s21], [sflag:$0x2] =	stream.linear.gather [hbm4b:s8+s5], $0x2000, $0x38;
	[tilespmem:$0x1E000] =	vst v63  }
0x1c9: {  	s8 =	simm.s32 $0x4  }
0x1ca: {  	_ =	swait.ge [sflag:s8], $0x2000  }
0x1cb: {  	[sflag:s8] =	ssyncset.done $0x0  }
0x1cc: {  	[sflag:s8] =	ssyncadd.s32 $0xFFFFE000  }
0x1cd: {  	_ =	swait.ge [sflag:s24], $0x2000  }
0x1ce: {  	[sflag:s24] =	ssyncset.done $0x0  }
0x1cf: {  	[sflag:s24] =	ssyncadd.s32 $0xFFFFE000  }
0x1d0: {  	_ =	swait.ge [sflag:s24], $0x2000  }
0x1d1: {  	[sflag:s24] =	ssyncset.done $0x0  }
0x1d2: {  	[sflag:s24] =	ssyncadd.s32 $0xFFFFE000  }
0x1d3: {  	_ =	swait.ge [sflag:s24], $0x2000  }
0x1d4: {  	[sflag:s24] =	ssyncset.done $0x0  }
0x1d5: {  	s11 =	simm.s32 $0x0;
	[sflag:s24] =	ssyncadd.s32 $0xFFFFE000  }
0x1d6: {  	s29 =	sand.u32 $0x1C00, s11;
	_ =	swait.ge [sflag:s24], $0x2000  }
0x1d7: {  	s12 =	sor.u32 s29, s11;
	[sflag:s24] =	ssyncset.done $0x0  }
0x1d8: {  	s12 =	sor.u32 $0x70, s12;
	[sflag:s24] =	ssyncadd.s32 $0xFFFFE000  }
0x1d9: {  	v0 =	vld [tilespmem:s12+$0x18000]  }
0x1da: {  	v1 =	vld [tilespmem:s12+$0x12000]  }
0x1db: {  	v2 =	vld [tilespmem:s12+$0x0]  }
0x1dc: {  	s15 =	sand.u32 $0x380, s11;
	v3 =	vld [tilespmem:s12+$0x6000]  }
0x1dd: {  	s8 =	sor.u32 s15, s29;
	v4 =	vld [tilespmem:s12+$0xC000]  }
0x1de: {  	v5 =	vld [tilespmem:s8+$0x18000]  }
0x1df: {  	v6 =	vld [tilespmem:s8+$0x0]  }
0x1e0: {  	v7 =	vld [tilespmem:s8+$0x6000]  }
0x1e1: {  	v8 =	vld [tilespmem:s8+$0xC000]  }
0x1e2: {  	v9 =	vld [tilespmem:s8+$0x12000]  }
0x1e3: {  	v10 =	vld [tilespmem:s8+$0x18010]  }
0x1e4: {  	v11 =	vld [tilespmem:s8+$0x10];
	v1 =	vadd.f32 v1, v0  }
0x1e5: {  	v12 =	vld [tilespmem:s8+$0x6010];
	v2 =	vadd.f32 v2, v0  }
0x1e6: {  	v62 =	vld [tilespmem:s8+$0x18030];
	v3 =	vadd.f32 v3, v0;
	[tilespmem:s12+$0x12000] =	vst v1  }
0x1e7: {  	v63 =	vld [tilespmem:s8+$0x18040];
	v0 =	vadd.f32 v4, v0;
	[tilespmem:s12+$0x0] =	vst v2  }
0x1e8: {  	v4 =	vld [tilespmem:s8+$0x18020];
	[tilespmem:s12+$0x6000] =	vst v3;
	v3 =	vadd.f32 v6, v5  }
0x1e9: {  	v1 =	vld [tilespmem:s8+$0xC010];
	[tilespmem:s12+$0xC000] =	vst v0;
	v0 =	vadd.f32 v7, v5  }
0x1ea: {  	v2 =	vld [tilespmem:s8+$0x12010];
	[tilespmem:s8+$0x0] =	vst v3;
	v3 =	vadd.f32 v8, v5  }
0x1eb: {  	v6 =	vld [tilespmem:s8+$0x20];
	[tilespmem:s8+$0x6000] =	vst v0;
	v0 =	vadd.f32 v9, v5  }
0x1ec: {  	v7 =	vld [tilespmem:s8+$0x6020];
	[tilespmem:s8+$0xC000] =	vst v3;
	v3 =	vadd.f32 v11, v10  }
0x1ed: {  	v5 =	vld [tilespmem:s8+$0xC020];
	[tilespmem:s8+$0x12000] =	vst v0;
	v0 =	vadd.f32 v12, v10  }
0x1ee: {  	v8 =	vld [tilespmem:s8+$0x12020];
	v1 =	vadd.f32 v1, v10;
	[tilespmem:s8+$0x10] =	vst v3  }
0x1ef: {  	v3 =	vld [tilespmem:s8+$0x30];
	[tilespmem:s8+$0x6010] =	vst v0;
	v0 =	vadd.f32 v2, v10  }
0x1f0: {  	v2 =	vld [tilespmem:s8+$0x6030];
	[tilespmem:s8+$0xC010] =	vst v1;
	v1 =	vadd.f32 v6, v4  }
0x1f1: {  	v6 =	vld [tilespmem:s8+$0xC030];
	[tilespmem:s8+$0x12010] =	vst v0;
	v0 =	vadd.f32 v7, v4  }
0x1f2: {  	v7 =	vld [tilespmem:s8+$0x12030];
	[tilespmem:s8+$0x20] =	vst v1;
	v1 =	vadd.f32 v5, v4  }
0x1f3: {  	[tilespmem:s8+$0x6020] =	vst v0;
	v0 =	vadd.f32 v8, v4;
	v4 =	vld [tilespmem:s8+$0x40]  }
0x1f4: {  	[tilespmem:s8+$0xC020] =	vst v1;
	v1 =	vadd.f32 v3, v62;
	v3 =	vld [tilespmem:s8+$0x6040]  }
0x1f5: {  	[tilespmem:s8+$0x12020] =	vst v0;
	v0 =	vadd.f32 v2, v62;
	v2 =	vld [tilespmem:s8+$0xC040]  }
0x1f6: {  	[tilespmem:s8+$0x30] =	vst v1;
	v1 =	vadd.f32 v6, v62;
	v6 =	vld [tilespmem:s8+$0x12040]  }
0x1f7: {  	v5 =	vadd.f32 v7, v62;
	[tilespmem:s8+$0x6030] =	vst v0;
	v0 =	vld [tilespmem:s8+$0x18050]  }
0x1f8: {  	[tilespmem:s8+$0xC030] =	vst v1;
	v1 =	vadd.f32 v4, v63;
	v4 =	vld [tilespmem:s8+$0x50]  }
0x1f9: {  	[tilespmem:s8+$0x12030] =	vst v5;
	v5 =	vld [tilespmem:s8+$0x6050];
	v7 =	vadd.f32 v3, v63  }
0x1fa: {  	v3 =	vld [tilespmem:s8+$0xC050];
	[tilespmem:s8+$0x40] =	vst v1;
	v1 =	vadd.f32 v2, v63  }
0x1fb: {  	v2 =	vld [tilespmem:s8+$0x12050];
	[tilespmem:s8+$0x6040] =	vst v7;
	v6 =	vadd.f32 v6, v63  }
0x1fc: {  	[tilespmem:s8+$0xC040] =	vst v1;
	v1 =	vld [tilespmem:s8+$0x18060]  }
0x1fd: {  	s15 =	simm.s32 $0x400;
	s12 =	simm.s32 $0x0;
	[tilespmem:s8+$0x12040] =	vst v6;
	v6 =	vadd.f32 v4, v0;
	v4 =	vld [tilespmem:s8+$0x60]  }
.LBB2_10:
0x1fe: {  	s16 =	sand.u32 $0x1C00, s15;
	v5 =	vadd.f32 v5, v0;
	v7 =	vld [tilespmem:s8+$0x6060];
	s11 =	sadd.s32 $0x10, s11  }
0x1ff: {  	s12 =	sadd.s32 $0x8, s12;
	s17 =	sand.u32 $0x380, s11;
	s19 =	sor.u32 s16, s11;
	[tilespmem:s8+$0x50] =	vst v6;
	v3 =	vadd.f32 v3, v0;
	v6 =	vld [tilespmem:s8+$0xC060]  }
0x200: {  	p0 =	slt.u32 s12, $0x1F8;
	s16 =	sor.u32 s17, s16;
	s17 =	sor.u32 $0x70, s19;
	[tilespmem:s8+$0x6050] =	vst v5;
	v0 =	vadd.f32 v2, v0;
	v2 =	vld [tilespmem:s8+$0x12060]  }
0x201: {  	v5 =	vld [tilespmem:s17+$0x18000];
	[tilespmem:s8+$0xC050] =	vst v3  }
0x202: {  	v3 =	vld [tilespmem:s17+$0x12000];
	[tilespmem:s8+$0x12050] =	vst v0;
	v0 =	vadd.f32 v4, v1  }
0x203: {  	v4 =	vld [tilespmem:s17+$0x0];
	v7 =	vadd.f32 v7, v1  }
0x204: {  	v8 =	vld [tilespmem:s17+$0x6000];
	[tilespmem:s8+$0x60] =	vst v0;
	v0 =	vadd.f32 v6, v1  }
0x205: {  	v6 =	vld [tilespmem:s17+$0xC000];
	[tilespmem:s8+$0x6060] =	vst v7;
	v1 =	vadd.f32 v2, v1  }
0x206: {  	v2 =	vld [tilespmem:s16+$0x18000];
	[tilespmem:s8+$0xC060] =	vst v0  }
0x207: {  	v0 =	vld [tilespmem:s16+$0x0];
	v3 =	vadd.f32 v3, v5;
	[tilespmem:s8+$0x12060] =	vst v1;
	s8 =	smov.u32 s16  }
0x208: {  	v1 =	vld [tilespmem:s8+$0x6000];
	v4 =	vadd.f32 v4, v5  }
0x209: {  	v7 =	vld [tilespmem:s8+$0xC000];
	v8 =	vadd.f32 v8, v5;
	[tilespmem:s17+$0x12000] =	vst v3  }
0x20a: {  	v3 =	vld [tilespmem:s8+$0x12000];
	[tilespmem:s17+$0x0] =	vst v4;
	v4 =	vadd.f32 v6, v5  }
0x20b: {  	v5 =	vld [tilespmem:s8+$0x18010];
	[tilespmem:s17+$0x6000] =	vst v8  }
0x20c: {  	v0 =	vadd.f32 v0, v2;
	v6 =	vld [tilespmem:s8+$0x10];
	[tilespmem:s17+$0xC000] =	vst v4  }
0x20d: {  	v1 =	vadd.f32 v1, v2;
	v4 =	vld [tilespmem:s8+$0x6010]  }
0x20e: {  	[tilespmem:s8+$0x0] =	vst v0;
	v0 =	vadd.f32 v7, v2;
	v7 =	vld [tilespmem:s8+$0xC010]  }
0x20f: {  	[tilespmem:s8+$0x6000] =	vst v1;
	v1 =	vadd.f32 v3, v2;
	v2 =	vld [tilespmem:s8+$0x12010]  }
0x210: {  	[tilespmem:s8+$0xC000] =	vst v0;
	v0 =	vld [tilespmem:s8+$0x18020]  }
0x211: {  	[tilespmem:s8+$0x12000] =	vst v1;
	v1 =	vadd.f32 v6, v5;
	v3 =	vld [tilespmem:s8+$0x20]  }
0x212: {  	v4 =	vadd.f32 v4, v5;
	v6 =	vld [tilespmem:s8+$0x6020]  }
0x213: {  	[tilespmem:s8+$0x10] =	vst v1;
	v1 =	vadd.f32 v7, v5;
	v7 =	vld [tilespmem:s8+$0xC020]  }
0x214: {  	[tilespmem:s8+$0x6010] =	vst v4;
	v2 =	vadd.f32 v2, v5;
	v4 =	vld [tilespmem:s8+$0x12020]  }
0x215: {  	[tilespmem:s8+$0xC010] =	vst v1;
	v1 =	vld [tilespmem:s8+$0x18030]  }
0x216: {  	[tilespmem:s8+$0x12010] =	vst v2;
	v2 =	vadd.f32 v3, v0;
	v3 =	vld [tilespmem:s8+$0x30]  }
0x217: {  	v5 =	vadd.f32 v6, v0;
	v6 =	vld [tilespmem:s8+$0x6030]  }
0x218: {  	[tilespmem:s8+$0x20] =	vst v2;
	v2 =	vadd.f32 v7, v0;
	v7 =	vld [tilespmem:s8+$0xC030]  }
0x219: {  	[tilespmem:s8+$0x6020] =	vst v5;
	v0 =	vadd.f32 v4, v0;
	v4 =	vld [tilespmem:s8+$0x12030]  }
0x21a: {  	[tilespmem:s8+$0xC020] =	vst v2;
	v2 =	vld [tilespmem:s8+$0x18040]  }
0x21b: {  	[tilespmem:s8+$0x12020] =	vst v0;
	v0 =	vadd.f32 v3, v1;
	v3 =	vld [tilespmem:s8+$0x40]  }
0x21c: {  	v5 =	vadd.f32 v6, v1;
	v6 =	vld [tilespmem:s8+$0x6040]  }
0x21d: {  	[tilespmem:s8+$0x30] =	vst v0;
	v0 =	vadd.f32 v7, v1;
	v7 =	vld [tilespmem:s8+$0xC040]  }
0x21e: {  	[tilespmem:s8+$0x6030] =	vst v5;
	v1 =	vadd.f32 v4, v1;
	v4 =	vld [tilespmem:s8+$0x12040]  }
0x21f: {  	[tilespmem:s8+$0xC030] =	vst v0;
	v0 =	vld [tilespmem:s8+$0x18050]  }
0x220: {  	[tilespmem:s8+$0x12030] =	vst v1;
	v1 =	vadd.f32 v3, v2;
	v8 =	vld [tilespmem:s8+$0x50]  }
.Ltmp4:
0x221: {  	v6 =	vadd.f32 v6, v2;
	v5 =	vld [tilespmem:s8+$0x6050];
	(pc) =	sbr.rel @p0 .LBB2_10-.Ltmp4, $4  }
0x222: {  	[tilespmem:s8+$0x40] =	vst v1;
	v1 =	vadd.f32 v7, v2;
	v3 =	vld [tilespmem:s8+$0xC050]  }
0x223: {  	[tilespmem:s8+$0x6040] =	vst v6;
	v4 =	vadd.f32 v4, v2;
	v2 =	vld [tilespmem:s8+$0x12050]  }
0x224: {  	[tilespmem:s8+$0xC040] =	vst v1;
	v1 =	vld [tilespmem:s8+$0x18060]  }
0x225: {  	s15 =	sadd.s32 $0x400, s15;
	[tilespmem:s8+$0x12040] =	vst v4;
	v6 =	vadd.f32 v8, v0;
	v4 =	vld [tilespmem:s8+$0x60]  }
0x226: {  	v7 =	vld [tilespmem:s8+$0x6060]  }
0x227: {  	v5 =	vadd.f32 v5, v0;
	v8 =	vld [tilespmem:s8+$0xC060]  }
0x228: {  	[tilespmem:s8+$0x50] =	vst v6;
	v3 =	vadd.f32 v3, v0;
	v6 =	vld [tilespmem:s8+$0x12060]  }
0x229: {  	[tilespmem:s8+$0x6050] =	vst v5;
	v0 =	vadd.f32 v2, v0  }
0x22a: {  	[tilespmem:s8+$0xC050] =	vst v3;
	v2 =	vadd.f32 v4, v1  }
0x22b: {  	[tilespmem:s8+$0x12050] =	vst v0;
	v0 =	vadd.f32 v7, v1  }
0x22c: {  	[tilespmem:s8+$0x60] =	vst v2;
	v2 =	vadd.f32 v8, v1  }
0x22d: {  	[tilespmem:s8+$0x6060] =	vst v0;
	v0 =	vadd.f32 v6, v1  }
0x22e: {  	[tilespmem:s8+$0xC060] =	vst v2  }
0x22f: {  	[tilespmem:s8+$0x12060] =	vst v0  }
0x230: {  	s8 =	simm.s32 $0x0;
	s11 =	rddreg [dreg:$0xd]  }
0x231: {  	[hbm4b:s11+s8] =	stream.linear.scatter [tilespmem:s8], [sflag:$0x7], $0x2000, $0x38;
	[tilespmem:$0x1E000] =	vst v63  }
0x232: {  	s12 =	simm.s32 $0x6000;
	s29 =	rddreg [dreg:$0xb]  }
0x233: {  	[hbm4b:s29+s8] =	stream.linear.scatter [tilespmem:s12], [sflag:$0x7], $0x2000, $0x38;
	[tilespmem:$0x1E000] =	vst v63  }
0x234: {  	s16 =	simm.s32 $0xC000;
	s15 =	rddreg [dreg:$0xc]  }
0x235: {  	[hbm4b:s15+s8] =	stream.linear.scatter [tilespmem:s16], [sflag:$0x7], $0x2000, $0x38;
	[tilespmem:$0x1E000] =	vst v63  }
0x236: {  	s19 =	simm.s32 $0x12000;
	s26 =	simm.s32 $0x9;
	s17 =	rddreg [dreg:$0xe]  }
0x237: {  	[hbm4b:s17+s8] =	stream.linear.scatter [tilespmem:s19], [sflag:$0x7], $0x2000, $0x38;
	[tilespmem:$0x1E000] =	vst v63  }
0x238: {  	_ =	swait.ge [sflag:s26], $0x2000  }
0x239: {  	[sflag:s26] =	ssyncset.done $0x0  }
0x23a: {  	[sflag:s26] =	ssyncadd.s32 $0xFFFFE000  }
0x23b: {  	_ =	swait.ge [sflag:s26], $0x2000  }
0x23c: {  	[sflag:s26] =	ssyncset.done $0x0  }
0x23d: {  	[sflag:s26] =	ssyncadd.s32 $0xFFFFE000  }
0x23e: {  	_ =	swait.ge [sflag:s26], $0x2000  }
0x23f: {  	[sflag:s26] =	ssyncset.done $0x0  }
0x240: {  	[sflag:s26] =	ssyncadd.s32 $0xFFFFE000  }
0x241: {  	_ =	swait.ge [sflag:s26], $0x2000  }
0x242: {  	[sflag:s26] =	ssyncset.done $0x0  }
0x243: {  	[sflag:s26] =	ssyncadd.s32 $0xFFFFE000  }
0x244: {  	_ =	swait.ge [sflag:s25], $0x2000  }
0x245: {  	[sflag:s25] =	ssyncset.done $0x0  }
0x246: {  	[sflag:s25] =	ssyncadd.s32 $0xFFFFE000  }
0x247: {  	_ =	swait.ge [sflag:s14], $0x2000  }
0x248: {  	[sflag:s14] =	ssyncset.done $0x0  }
0x249: {  	[sflag:s14] =	ssyncadd.s32 $0xFFFFE000  }
0x24a: {  	_ =	swait.ge [sflag:s14], $0x2000  }
0x24b: {  	[sflag:s14] =	ssyncset.done $0x0  }
0x24c: {  	[sflag:s14] =	ssyncadd.s32 $0xFFFFE000  }
0x24d: {  	_ =	swait.ge [sflag:s14], $0x2000  }
0x24e: {  	[sflag:s14] =	ssyncset.done $0x0  }
0x24f: {  	[sflag:s14] =	ssyncadd.s32 $0xFFFFE000  }
0x250: {  	s28 =	sand.u32 $0x1C00, s8;
	_ =	swait.ge [sflag:s14], $0x2000  }
0x251: {  	s29 =	sor.u32 s28, s8;
	[sflag:s14] =	ssyncset.done $0x0  }
0x252: {  	s12 =	sor.u32 $0x70, s29;
	[sflag:s14] =	ssyncadd.s32 $0xFFFFE000  }
0x253: {  	v0 =	vld [tilespmem:s12+$0x1A000]  }
0x254: {  	v1 =	vld [tilespmem:s12+$0x14000]  }
0x255: {  	v2 =	vld [tilespmem:s12+$0x2000]  }
0x256: {  	s15 =	sand.u32 $0x380, s8;
	v3 =	vld [tilespmem:s12+$0x8000]  }
0x257: {  	s11 =	sor.u32 s15, s28;
	v4 =	vld [tilespmem:s12+$0xE000]  }
0x258: {  	v5 =	vld [tilespmem:s11+$0x1A000]  }
0x259: {  	v6 =	vld [tilespmem:s11+$0x2000]  }
0x25a: {  	v7 =	vld [tilespmem:s11+$0x8000]  }
0x25b: {  	v8 =	vld [tilespmem:s11+$0xE000]  }
0x25c: {  	v9 =	vld [tilespmem:s11+$0x14000]  }
0x25d: {  	v10 =	vld [tilespmem:s11+$0x1A010]  }
0x25e: {  	v11 =	vld [tilespmem:s11+$0x2010];
	v1 =	vadd.f32 v1, v0  }
0x25f: {  	v12 =	vld [tilespmem:s11+$0x8010];
	v2 =	vadd.f32 v2, v0  }
0x260: {  	v62 =	vld [tilespmem:s11+$0x1A030];
	v3 =	vadd.f32 v3, v0;
	[tilespmem:s12+$0x14000] =	vst v1  }
0x261: {  	v63 =	vld [tilespmem:s11+$0x1A040];
	v0 =	vadd.f32 v4, v0;
	[tilespmem:s12+$0x2000] =	vst v2  }
0x262: {  	v4 =	vld [tilespmem:s11+$0x1A020];
	[tilespmem:s12+$0x8000] =	vst v3;
	v3 =	vadd.f32 v6, v5  }
0x263: {  	v1 =	vld [tilespmem:s11+$0xE010];
	[tilespmem:s12+$0xE000] =	vst v0;
	v0 =	vadd.f32 v7, v5  }
0x264: {  	v2 =	vld [tilespmem:s11+$0x14010];
	[tilespmem:s11+$0x2000] =	vst v3;
	v3 =	vadd.f32 v8, v5  }
0x265: {  	v6 =	vld [tilespmem:s11+$0x2020];
	[tilespmem:s11+$0x8000] =	vst v0;
	v0 =	vadd.f32 v9, v5  }
0x266: {  	v7 =	vld [tilespmem:s11+$0x8020];
	[tilespmem:s11+$0xE000] =	vst v3;
	v3 =	vadd.f32 v11, v10  }
0x267: {  	v5 =	vld [tilespmem:s11+$0xE020];
	[tilespmem:s11+$0x14000] =	vst v0;
	v0 =	vadd.f32 v12, v10  }
0x268: {  	v8 =	vld [tilespmem:s11+$0x14020];
	v1 =	vadd.f32 v1, v10;
	[tilespmem:s11+$0x2010] =	vst v3  }
0x269: {  	v3 =	vld [tilespmem:s11+$0x2030];
	[tilespmem:s11+$0x8010] =	vst v0;
	v0 =	vadd.f32 v2, v10  }
0x26a: {  	v2 =	vld [tilespmem:s11+$0x8030];
	[tilespmem:s11+$0xE010] =	vst v1;
	v1 =	vadd.f32 v6, v4  }
0x26b: {  	v6 =	vld [tilespmem:s11+$0xE030];
	[tilespmem:s11+$0x14010] =	vst v0;
	v0 =	vadd.f32 v7, v4  }
0x26c: {  	v7 =	vld [tilespmem:s11+$0x14030];
	[tilespmem:s11+$0x2020] =	vst v1;
	v1 =	vadd.f32 v5, v4  }
0x26d: {  	[tilespmem:s11+$0x8020] =	vst v0;
	v0 =	vadd.f32 v8, v4;
	v4 =	vld [tilespmem:s11+$0x2040]  }
0x26e: {  	[tilespmem:s11+$0xE020] =	vst v1;
	v1 =	vadd.f32 v3, v62;
	v3 =	vld [tilespmem:s11+$0x8040]  }
0x26f: {  	[tilespmem:s11+$0x14020] =	vst v0;
	v0 =	vadd.f32 v2, v62;
	v2 =	vld [tilespmem:s11+$0xE040]  }
0x270: {  	[tilespmem:s11+$0x2030] =	vst v1;
	v1 =	vadd.f32 v6, v62;
	v6 =	vld [tilespmem:s11+$0x14040]  }
0x271: {  	v5 =	vadd.f32 v7, v62;
	[tilespmem:s11+$0x8030] =	vst v0;
	v0 =	vld [tilespmem:s11+$0x1A050]  }
0x272: {  	[tilespmem:s11+$0xE030] =	vst v1;
	v1 =	vadd.f32 v4, v63;
	v4 =	vld [tilespmem:s11+$0x2050]  }
0x273: {  	[tilespmem:s11+$0x14030] =	vst v5;
	v5 =	vld [tilespmem:s11+$0x8050];
	v7 =	vadd.f32 v3, v63  }
0x274: {  	v3 =	vld [tilespmem:s11+$0xE050];
	[tilespmem:s11+$0x2040] =	vst v1;
	v1 =	vadd.f32 v2, v63  }
0x275: {  	v2 =	vld [tilespmem:s11+$0x14050];
	[tilespmem:s11+$0x8040] =	vst v7;
	v6 =	vadd.f32 v6, v63  }
0x276: {  	[tilespmem:s11+$0xE040] =	vst v1;
	v1 =	vld [tilespmem:s11+$0x1A060]  }
0x277: {  	s15 =	simm.s32 $0x400;
	s12 =	simm.s32 $0x0;
	[tilespmem:s11+$0x14040] =	vst v6;
	v6 =	vadd.f32 v4, v0;
	v4 =	vld [tilespmem:s11+$0x2060]  }
.LBB2_12:
0x278: {  	s16 =	sand.u32 $0x1C00, s15;
	v5 =	vadd.f32 v5, v0;
	v7 =	vld [tilespmem:s11+$0x8060];
	s8 =	sadd.s32 $0x10, s8  }
0x279: {  	s12 =	sadd.s32 $0x8, s12;
	s17 =	sand.u32 $0x380, s8;
	s19 =	sor.u32 s16, s8;
	[tilespmem:s11+$0x2050] =	vst v6;
	v3 =	vadd.f32 v3, v0;
	v6 =	vld [tilespmem:s11+$0xE060]  }
0x27a: {  	p0 =	slt.u32 s12, $0x1F8;
	s16 =	sor.u32 s17, s16;
	s17 =	sor.u32 $0x70, s19;
	[tilespmem:s11+$0x8050] =	vst v5;
	v0 =	vadd.f32 v2, v0;
	v2 =	vld [tilespmem:s11+$0x14060]  }
0x27b: {  	v5 =	vld [tilespmem:s17+$0x1A000];
	[tilespmem:s11+$0xE050] =	vst v3  }
0x27c: {  	v3 =	vld [tilespmem:s17+$0x14000];
	[tilespmem:s11+$0x14050] =	vst v0;
	v0 =	vadd.f32 v4, v1  }
0x27d: {  	v4 =	vld [tilespmem:s17+$0x2000];
	v7 =	vadd.f32 v7, v1  }
0x27e: {  	v8 =	vld [tilespmem:s17+$0x8000];
	[tilespmem:s11+$0x2060] =	vst v0;
	v0 =	vadd.f32 v6, v1  }
0x27f: {  	v6 =	vld [tilespmem:s17+$0xE000];
	[tilespmem:s11+$0x8060] =	vst v7;
	v1 =	vadd.f32 v2, v1  }
0x280: {  	v2 =	vld [tilespmem:s16+$0x1A000];
	[tilespmem:s11+$0xE060] =	vst v0  }
0x281: {  	v0 =	vld [tilespmem:s16+$0x2000];
	v3 =	vadd.f32 v3, v5;
	[tilespmem:s11+$0x14060] =	vst v1;
	s11 =	smov.u32 s16  }
0x282: {  	v1 =	vld [tilespmem:s11+$0x8000];
	v4 =	vadd.f32 v4, v5  }
0x283: {  	v7 =	vld [tilespmem:s11+$0xE000];
	v8 =	vadd.f32 v8, v5;
	[tilespmem:s17+$0x14000] =	vst v3  }
0x284: {  	v3 =	vld [tilespmem:s11+$0x14000];
	[tilespmem:s17+$0x2000] =	vst v4;
	v4 =	vadd.f32 v6, v5  }
0x285: {  	v5 =	vld [tilespmem:s11+$0x1A010];
	[tilespmem:s17+$0x8000] =	vst v8  }
0x286: {  	v0 =	vadd.f32 v0, v2;
	v6 =	vld [tilespmem:s11+$0x2010];
	[tilespmem:s17+$0xE000] =	vst v4  }
0x287: {  	v1 =	vadd.f32 v1, v2;
	v4 =	vld [tilespmem:s11+$0x8010]  }
0x288: {  	[tilespmem:s11+$0x2000] =	vst v0;
	v0 =	vadd.f32 v7, v2;
	v7 =	vld [tilespmem:s11+$0xE010]  }
0x289: {  	[tilespmem:s11+$0x8000] =	vst v1;
	v1 =	vadd.f32 v3, v2;
	v2 =	vld [tilespmem:s11+$0x14010]  }
0x28a: {  	[tilespmem:s11+$0xE000] =	vst v0;
	v0 =	vld [tilespmem:s11+$0x1A020]  }
0x28b: {  	[tilespmem:s11+$0x14000] =	vst v1;
	v1 =	vadd.f32 v6, v5;
	v3 =	vld [tilespmem:s11+$0x2020]  }
0x28c: {  	v4 =	vadd.f32 v4, v5;
	v6 =	vld [tilespmem:s11+$0x8020]  }
0x28d: {  	[tilespmem:s11+$0x2010] =	vst v1;
	v1 =	vadd.f32 v7, v5;
	v7 =	vld [tilespmem:s11+$0xE020]  }
0x28e: {  	[tilespmem:s11+$0x8010] =	vst v4;
	v2 =	vadd.f32 v2, v5;
	v4 =	vld [tilespmem:s11+$0x14020]  }
0x28f: {  	[tilespmem:s11+$0xE010] =	vst v1;
	v1 =	vld [tilespmem:s11+$0x1A030]  }
0x290: {  	[tilespmem:s11+$0x14010] =	vst v2;
	v2 =	vadd.f32 v3, v0;
	v3 =	vld [tilespmem:s11+$0x2030]  }
0x291: {  	v5 =	vadd.f32 v6, v0;
	v6 =	vld [tilespmem:s11+$0x8030]  }
0x292: {  	[tilespmem:s11+$0x2020] =	vst v2;
	v2 =	vadd.f32 v7, v0;
	v7 =	vld [tilespmem:s11+$0xE030]  }
0x293: {  	[tilespmem:s11+$0x8020] =	vst v5;
	v0 =	vadd.f32 v4, v0;
	v4 =	vld [tilespmem:s11+$0x14030]  }
0x294: {  	[tilespmem:s11+$0xE020] =	vst v2;
	v2 =	vld [tilespmem:s11+$0x1A040]  }
0x295: {  	[tilespmem:s11+$0x14020] =	vst v0;
	v0 =	vadd.f32 v3, v1;
	v3 =	vld [tilespmem:s11+$0x2040]  }
0x296: {  	v5 =	vadd.f32 v6, v1;
	v6 =	vld [tilespmem:s11+$0x8040]  }
0x297: {  	[tilespmem:s11+$0x2030] =	vst v0;
	v0 =	vadd.f32 v7, v1;
	v7 =	vld [tilespmem:s11+$0xE040]  }
0x298: {  	[tilespmem:s11+$0x8030] =	vst v5;
	v1 =	vadd.f32 v4, v1;
	v4 =	vld [tilespmem:s11+$0x14040]  }
0x299: {  	[tilespmem:s11+$0xE030] =	vst v0;
	v0 =	vld [tilespmem:s11+$0x1A050]  }
0x29a: {  	[tilespmem:s11+$0x14030] =	vst v1;
	v1 =	vadd.f32 v3, v2;
	v8 =	vld [tilespmem:s11+$0x2050]  }
.Ltmp5:
0x29b: {  	v6 =	vadd.f32 v6, v2;
	v5 =	vld [tilespmem:s11+$0x8050];
	(pc) =	sbr.rel @p0 .LBB2_12-.Ltmp5, $4  }
0x29c: {  	[tilespmem:s11+$0x2040] =	vst v1;
	v1 =	vadd.f32 v7, v2;
	v3 =	vld [tilespmem:s11+$0xE050]  }
0x29d: {  	[tilespmem:s11+$0x8040] =	vst v6;
	v4 =	vadd.f32 v4, v2;
	v2 =	vld [tilespmem:s11+$0x14050]  }
0x29e: {  	[tilespmem:s11+$0xE040] =	vst v1;
	v1 =	vld [tilespmem:s11+$0x1A060]  }
0x29f: {  	s15 =	sadd.s32 $0x400, s15;
	[tilespmem:s11+$0x14040] =	vst v4;
	v6 =	vadd.f32 v8, v0;
	v4 =	vld [tilespmem:s11+$0x2060]  }
0x2a0: {  	v7 =	vld [tilespmem:s11+$0x8060]  }
0x2a1: {  	v5 =	vadd.f32 v5, v0;
	v8 =	vld [tilespmem:s11+$0xE060]  }
0x2a2: {  	v58 =	vld [tilespmem:s11+$0x14060];
	[tilespmem:s11+$0x2050] =	vst v6;
	v3 =	vadd.f32 v3, v0  }
0x2a3: {  	[tilespmem:s11+$0x8050] =	vst v5;
	v59 =	vadd.f32 v2, v0  }
0x2a4: {  	[tilespmem:s11+$0xE050] =	vst v3;
	v60 =	vadd.f32 v4, v1  }
0x2a5: {  	[tilespmem:s11+$0x14050] =	vst v59;
	v61 =	vadd.f32 v7, v1  }
0x2a6: {  	v62 =	vadd.f32 v8, v1;
	[tilespmem:s11+$0x2060] =	vst v60  }
0x2a7: {  	v63 =	vadd.f32 v58, v1;
	[tilespmem:s11+$0x8060] =	vst v61  }
0x2a8: {  	[tilespmem:s11+$0xE060] =	vst v62  }
0x2a9: {  	[tilespmem:s11+$0x14060] =	vst v63  }
0x2aa: {  	s8 =	rddreg [dreg:$0x10]  }
0x2ab: {  	[hbm4b:s8+s5] =	stream.linear.scatter [tilespmem:s20], [sflag:$0x8], $0x2000, $0x38;
	[tilespmem:$0x1E000] =	vst v63  }
0x2ac: {  	s17 =	rddreg [dreg:$0xf]  }
0x2ad: {  	[hbm4b:s17+s5] =	stream.linear.scatter [tilespmem:s3], [sflag:$0x8], $0x2000, $0x38;
	[tilespmem:$0x1E000] =	vst v63  }
0x2ae: {  	s19 =	rddreg [dreg:$0x11]  }
0x2af: {  	[hbm4b:s19+s5] =	stream.linear.scatter [tilespmem:s6], [sflag:$0x8], $0x2000, $0x38;
	[tilespmem:$0x1E000] =	vst v63  }
0x2b0: {  	s26 =	rddreg [dreg:$0x12]  }
0x2b1: {  	[hbm4b:s26+s5] =	stream.linear.scatter [tilespmem:s21], [sflag:$0x8], $0x2000, $0x38;
	[tilespmem:$0x1E000] =	vst v63  }
0x2b2: {  	_ =	swait.ge [sflag:s18], $0x2000  }
0x2b3: {  	[sflag:s18] =	ssyncset.done $0x0  }
0x2b4: {  	[sflag:s18] =	ssyncadd.s32 $0xFFFFE000  }
0x2b5: {  	_ =	swait.ge [sflag:s18], $0x2000  }
0x2b6: {  	[sflag:s18] =	ssyncset.done $0x0  }
0x2b7: {  	[sflag:s18] =	ssyncadd.s32 $0xFFFFE000  }
0x2b8: {  	_ =	swait.ge [sflag:s18], $0x2000  }
0x2b9: {  	[sflag:s18] =	ssyncset.done $0x0  }
0x2ba: {  	[sflag:s18] =	ssyncadd.s32 $0xFFFFE000  }
0x2bb: {  	_ =	swait.ge [sflag:s18], $0x2000  }
0x2bc: {  	[sflag:s18] =	ssyncset.done $0x0  }
0x2bd: {  	[sflag:s18] =	ssyncadd.s32 $0xFFFFE000  }
0x2be: {  	_ =	swait.ge [sflag:s7], $0x2000  }
0x2bf: {  	[sflag:s7] =	ssyncset.done $0x0  }
0x2c0: {  	[sflag:s7] =	ssyncadd.s32 $0xFFFFE000  }
0x2c1: {  	_ =	swait.ge [sflag:s7], $0x2000  }
0x2c2: {  	[sflag:s7] =	ssyncset.done $0x0  }
0x2c3: {  	[sflag:s7] =	ssyncadd.s32 $0xFFFFE000  }
0x2c4: {  	_ =	swait.ge [sflag:s7], $0x2000  }
0x2c5: {  	[sflag:s7] =	ssyncset.done $0x0  }
0x2c6: {  	[sflag:s7] =	ssyncadd.s32 $0xFFFFE000  }
0x2c7: {  	_ =	swait.ge [sflag:s7], $0x2000  }
0x2c8: {  	s28 =	rddreg [dreg:$0x1c]  }
0x2c9: {  	s29 =	rddreg [dreg:$0x16];
	s11 =	sadd.s32 $0x1, s28  }
0x2ca: {  	p0 =	sne.s32 s11, s29  }
.Ltmp6:
0x2cb: {  	_ = 	snop;
	(pc) =	sbr.rel @p0 .LBB2_1-.Ltmp6, $3  }
0x2cc: {  	_ =	sdelay $0x1  }
0x2cd: {  	[sflag:s7] =	ssyncset.done $0x0  }
0x2ce: {  	[sflag:s7] =	ssyncadd.s32 $0xFFFFE000  }
0x2cf: {  	_ =	sfence.sel $0x180000  }
0x2d0: {  	[bflag:$0x0] =	sbarrier.arrive $0xFFFF  }
0x2d1: {  	_ =	strace $0x90000047  }
0x2d2: {  	s0 =	stileid.u32;
	[bflag:$0x2] =	sbarrier.arrive $0xFFFF  }
0x2d3: {  	p0 =	sne.s32 s0, $0x0;
	s0 =	rddreg [dreg:$0x3]  }
0x2d4: {  	s0 =	sadd.s32 @!p0 $0x100000, s0  }
0x2d5: {  	[sflag:s0] =	ssyncadd.tile.s32 @!p0 $0x1;
	_ =	shalt  }
.Lfunc_end2:
_tile_overlayer_lowered:
.L_overlay_start_2:
0x2d6: {  	(tag) =	ssettag $0x2  }
0x2d7: {  	s0 =	rddreg [dreg:$0x0];
	s2 =	stileid.u32  }
0x2d8: {  	s1 =	rddreg [dreg:$0x1];
	p0 =	sne.s32 s2, $0x0  }
0x2d9: {  	s3 =	rddreg [dreg:$0x2];
	[bflag:$0x3] =	sbarrier.arrive $0xFFFF;
	s2 =	simm.s32 @!p0 $0x1C0A  }
0x2da: {  	[timem:s3], [sflag:s2] =	dma.local @!p0 [hbm:s0], s1  }
0x2db: {  	s0 =	simm.s32 @!p0 $0xA  }
0x2dc: {  	_ =	swait.ge @!p0 [sflag:s0], s1  }
0x2dd: {  	s1 =	ssub.s32 @!p0 $0x0, s1;
	[sflag:s0] =	ssyncset.done @!p0 $0x0  }
0x2de: {  	[sflag:s0] =	ssyncadd.s32 @!p0 s1  }
0x2df: {  	[bflag:$0x3] =	sbarrier.arrive $0xFFFF  }
0x2e0: {  	_ =	shalt  }

</sc_bundles>
